<compile_context>
chip_gen: v7x
topology: tpu7x:2x2x1
jax: 0.10.2.dev20260603
libtpu: 0.0.44.dev20260713+nightly
codegen_flags: <defaults>
</compile_context>

<pallas_src>
import functools

import jax
import jax.numpy as jnp
from jax import lax
from jax.experimental import pallas as pl
from jax.experimental.pallas import tpu as pltpu
from jax.experimental.pallas import tpu_sc as plsc

PS = 4
NPD = 8
P = NPD * NPD
T = PS * PS
M = P * T
C = 768
FF = 3072
E = 8
TOPK = 2
G = 8
NBLK = 32
NSLOT = NBLK * G
ROWS = NSLOT * T
FB = 768
NF = FF // FB

_HI = jax.lax.Precision.HIGHEST


def _router_body(tok_ref, wg_ref, src_ref, bexp_ref, bval_ref, bfetch_ref,
                 wrow_ref, rp0_ref, rp1_ref):
    t = tok_ref[...]
    col = lax.broadcasted_iota(jnp.int32, (P, M), 1)
    row = lax.broadcasted_iota(jnp.int32, (P, M), 0)
    pmat = jnp.where(col // T == row, 1.0 / T, 0.0)
    pooled = jnp.dot(pmat, t, preferred_element_type=jnp.float32,
                     precision=_HI)
    logits = lax.dot_general(pooled, wg_ref[...], (((1,), (1,)), ((), ())),
                             preferred_element_type=jnp.float32,
                             precision=_HI)
    probs = jax.nn.softmax(logits, axis=-1)
    eidx = lax.broadcasted_iota(jnp.int32, (P, E), 1)
    m1 = jnp.max(probs, axis=1, keepdims=True)
    i1 = jnp.min(jnp.where(probs == m1, eidx, E), axis=1, keepdims=True)
    probs2 = jnp.where(eidx == i1, -jnp.inf, probs)
    m2 = jnp.max(probs2, axis=1, keepdims=True)
    i2 = jnp.min(jnp.where(probs2 == m2, eidx, E), axis=1, keepdims=True)
    denom = m1 + m2 + 1e-9
    w1n = m1 / denom
    w2n = m2 / denom

    onehot = ((eidx == i1) | (eidx == i2)).astype(jnp.float32)
    prow = lax.broadcasted_iota(jnp.int32, (P, P), 0)
    pcol = lax.broadcasted_iota(jnp.int32, (P, P), 1)
    tril = (pcol < prow).astype(jnp.float32)
    rank = jnp.dot(tril, onehot, preferred_element_type=jnp.float32,
                   precision=_HI)
    cnt = jnp.sum(onehot, axis=0, keepdims=True)
    cnt_i = cnt.astype(jnp.int32)
    padded = ((cnt_i + (G - 1)) // G) * G
    erow = lax.broadcasted_iota(jnp.int32, (E, E), 0)
    ecol = lax.broadcasted_iota(jnp.int32, (E, E), 1)
    supper = (erow < ecol).astype(jnp.float32)
    start = jnp.dot(padded.astype(jnp.float32), supper,
                    preferred_element_type=jnp.float32,
                    precision=_HI)
    pos = start + rank
    sel0 = (eidx == i1).astype(jnp.float32)
    sel1 = (eidx == i2).astype(jnp.float32)
    slot0 = jnp.sum(pos * sel0, axis=1, keepdims=True)
    slot1 = jnp.sum(pos * sel1, axis=1, keepdims=True)
    slot0_i = slot0.astype(jnp.int32)
    slot1_i = slot1.astype(jnp.int32)

    nslot_act = jnp.sum(padded)
    nblk_act = nslot_act // G

    s_iota = lax.broadcasted_iota(jnp.int32, (P, NSLOT), 1)
    p_iota = lax.broadcasted_iota(jnp.int32, (P, NSLOT), 0)
    mask01 = ((s_iota == slot0_i) | (s_iota == slot1_i)).astype(jnp.int32)
    src_ref[...] = jnp.sum(mask01 * p_iota, axis=0, keepdims=True)

    startblk = (start.astype(jnp.int32)) // G
    startblk_t = lax.dot_general(
        startblk.astype(jnp.float32), jnp.eye(1, dtype=jnp.float32),
        (((0,), (0,)), ((), ())), preferred_element_type=jnp.float32,
        precision=_HI).astype(jnp.int32)
    b_iota = lax.broadcasted_iota(jnp.int32, (E, NBLK), 1)
    owned = (b_iota >= startblk_t).astype(jnp.int32)
    bexp_ref[...] = jnp.sum(owned, axis=0, keepdims=True) - 1
    blk_i = lax.broadcasted_iota(jnp.int32, (1, NBLK), 1)
    bval_ref[...] = (blk_i < nblk_act).astype(jnp.int32)
    bfetch_ref[...] = jnp.minimum(blk_i, nblk_act - 1)

    ident = jnp.eye(P, dtype=jnp.float32)
    slot0_t = lax.dot_general(slot0, ident, (((0,), (0,)), ((), ())),
                              preferred_element_type=jnp.float32,
                              precision=_HI)
    slot1_t = lax.dot_general(slot1, ident, (((0,), (0,)), ((), ())),
                              preferred_element_type=jnp.float32,
                              precision=_HI)
    s_row = lax.broadcasted_iota(jnp.int32, (NSLOT, P), 0)
    maskT = ((s_row == slot0_t.astype(jnp.int32)).astype(jnp.float32),
             (s_row == slot1_t.astype(jnp.int32)).astype(jnp.float32))
    wslot = (jnp.dot(maskT[0], w1n, preferred_element_type=jnp.float32,
                     precision=_HI)
             + jnp.dot(maskT[1], w2n, preferred_element_type=jnp.float32,
                       precision=_HI))
    wrow_ref[...] = jnp.broadcast_to(wslot, (NSLOT, T))

    t_iota = lax.broadcasted_iota(jnp.int32, (P, T), 1)
    rp0_ref[...] = slot0_i * T + t_iota
    rp1_ref[...] = slot1_i * T + t_iota


def _run_router(tokens, Wg):
    outs = pl.pallas_call(
        _router_body,
        grid=(1,),
        in_specs=[
            pl.BlockSpec((M, C), lambda i: (0, 0)),
            pl.BlockSpec((E, C), lambda i: (0, 0)),
        ],
        out_specs=[
            pl.BlockSpec((1, NSLOT), lambda i: (0, 0)),
            pl.BlockSpec((1, NBLK), lambda i: (0, 0)),
            pl.BlockSpec((1, NBLK), lambda i: (0, 0)),
            pl.BlockSpec((1, NBLK), lambda i: (0, 0)),
            pl.BlockSpec((NSLOT, T), lambda i: (0, 0)),
            pl.BlockSpec((P, T), lambda i: (0, 0)),
            pl.BlockSpec((P, T), lambda i: (0, 0)),
        ],
        out_shape=[
            jax.ShapeDtypeStruct((1, NSLOT), jnp.int32),
            jax.ShapeDtypeStruct((1, NBLK), jnp.int32),
            jax.ShapeDtypeStruct((1, NBLK), jnp.int32),
            jax.ShapeDtypeStruct((1, NBLK), jnp.int32),
            jax.ShapeDtypeStruct((NSLOT, T), jnp.float32),
            jax.ShapeDtypeStruct((P, T), jnp.int32),
            jax.ShapeDtypeStruct((P, T), jnp.int32),
        ],
    )(tokens, Wg)
    return outs


_SLOTS_W = NSLOT // 32
_PROW = T * C


@functools.lru_cache(maxsize=None)
def _make_sc_gather():
    @functools.partial(
        pl.kernel,
        mesh=plsc.VectorSubcoreMesh(core_axis_name="c", subcore_axis_name="s"),
        out_type=jax.ShapeDtypeStruct((NSLOT, _PROW), jnp.float32),
        scratch_types=[
            pltpu.VMEM((_SLOTS_W,), jnp.int32),
            pltpu.VMEM((_SLOTS_W, _PROW), jnp.float32),
            pltpu.SemaphoreType.DMA,
        ],
    )
    def _sc_gather(src_hbm, tok_hbm, out_hbm, idx_v, rows_v, sem):
        wid = lax.axis_index("s") * 2 + lax.axis_index("c")
        base = wid * _SLOTS_W
        pltpu.sync_copy(src_hbm.at[pl.ds(base, _SLOTS_W)], idx_v)
        pltpu.async_copy(tok_hbm.at[idx_v], rows_v, sem).wait()
        pltpu.sync_copy(rows_v, out_hbm.at[pl.ds(base, _SLOTS_W)])

    return _sc_gather


def _ffn_body(bexp_s, bval_s, bfetch_s, xs_ref, w1_ref, b1_ref, w2_ref,
              b2_ref, wrow_ref, ys_ref):
    b = pl.program_id(0)
    f = pl.program_id(1)
    valid = bval_s[b] == 1

    @pl.when(valid)
    def _():
        t = xs_ref[...].astype(jnp.bfloat16)
        w1 = w1_ref[0].astype(jnp.bfloat16)
        h = lax.dot_general(t, w1, (((1,), (1,)), ((), ())),
                            preferred_element_type=jnp.float32)
        h = h + b1_ref[0, 0]
        h = 0.5 * h * (1.0 + lax.erf(h * 0.7071067811865476))
        w2 = w2_ref[0].astype(jnp.bfloat16)
        y = lax.dot_general(h.astype(jnp.bfloat16), w2,
                            (((1,), (1,)), ((), ())),
                            preferred_element_type=jnp.float32)
        s = wrow_ref[...]

        @pl.when(f == 0)
        def _():
            ys_ref[...] = s * (y + b2_ref[0])

        @pl.when(f != 0)
        def _():
            ys_ref[...] += s * y


def _run_ffn(xs, W1, b1r, W2, b2r, wrow, bexp, bval, bfetch):
    grid_spec = pltpu.PrefetchScalarGridSpec(
        num_scalar_prefetch=3,
        grid=(NBLK, NF),
        in_specs=[
            pl.BlockSpec((G * T, C), lambda b, f, be, bv, bf: (bf[b], 0)),
            pl.BlockSpec((1, FB, C), lambda b, f, be, bv, bf: (be[b], f, 0)),
            pl.BlockSpec((1, 1, 1, FB),
                         lambda b, f, be, bv, bf: (be[b], f, 0, 0)),
            pl.BlockSpec((1, C, FB), lambda b, f, be, bv, bf: (be[b], 0, f)),
            pl.BlockSpec((1, 1, C), lambda b, f, be, bv, bf: (be[b], 0, 0)),
            pl.BlockSpec((G * T, 1), lambda b, f, be, bv, bf: (bf[b], 0)),
        ],
        out_specs=pl.BlockSpec((G * T, C), lambda b, f, be, bv, bf: (bf[b], 0)),
    )
    return pl.pallas_call(
        _ffn_body,
        grid_spec=grid_spec,
        out_shape=jax.ShapeDtypeStruct((ROWS, C), jnp.float32),
    )(bexp, bval, bfetch, xs, W1, b1r, W2, b2r, wrow)


_ROWS_W = M // 32
_NV = _ROWS_W * C // 16


@functools.lru_cache(maxsize=None)
def _make_sc_combine():
    @functools.partial(
        pl.kernel,
        mesh=plsc.VectorSubcoreMesh(core_axis_name="c", subcore_axis_name="s"),
        out_type=jax.ShapeDtypeStruct((M, C), jnp.float32),
        scratch_types=[
            pltpu.VMEM((_ROWS_W,), jnp.int32),
            pltpu.VMEM((_ROWS_W,), jnp.int32),
            pltpu.VMEM((_ROWS_W, C), jnp.float32),
            pltpu.VMEM((_ROWS_W, C), jnp.float32),
            pltpu.SemaphoreType.DMA,
        ],
    )
    def _sc_combine(rp0_hbm, rp1_hbm, ys_hbm, out_hbm, idx0_v, idx1_v,
                    g0_v, g1_v, sem):
        wid = lax.axis_index("s") * 2 + lax.axis_index("c")
        base = wid * _ROWS_W
        pltpu.sync_copy(rp0_hbm.at[pl.ds(base, _ROWS_W)], idx0_v)
        pltpu.sync_copy(rp1_hbm.at[pl.ds(base, _ROWS_W)], idx1_v)
        pltpu.async_copy(ys_hbm.at[idx0_v], g0_v, sem).wait()
        pltpu.async_copy(ys_hbm.at[idx1_v], g1_v, sem).wait()

        def body(r, _):
            for u in range(C // 16):
                off = u * 16
                g0_v[r, pl.ds(off, 16)] = (g0_v[r, pl.ds(off, 16)]
                                           + g1_v[r, pl.ds(off, 16)])
            return ()

        lax.fori_loop(0, _ROWS_W, body, ())
        pltpu.sync_copy(g0_v, out_hbm.at[pl.ds(base, _ROWS_W)])

    return _sc_combine


@jax.jit
def kernel(x, Wg, W1, b1, W2, b2):
    tokens = x.reshape(NPD, PS, NPD, PS, C).transpose(0, 2, 1, 3, 4).reshape(M, C)
    src, bexp, bval, bfetch, wrow, rp0, rp1 = _run_router(tokens, Wg)
    src_f = src.reshape(NSLOT)
    xs = _make_sc_gather()(src_f, tokens.reshape(P, _PROW))
    b1r = b1.reshape(E, NF, 1, FB)
    b2r = b2.reshape(E, 1, C)
    return (xs.reshape(ROWS, C)[:M] + wrow.reshape(ROWS, 1)[:M]
            + (bexp[0, 0] + bval[0, 0] + bfetch[0, 0]
               + rp0[0, 0] + rp1[0, 0]).astype(jnp.float32)
            ).reshape(1, NPD * PS, NPD * PS, C)

# --- scband reference (transcript-rebuilt; emitter-appended) ---
"""Pipeline reference for scband-patch-mo-elayer-37915971289528 (READ-ONLY COPY).

The authoritative reference and input builder live on the scoring server;
editing this copy changes nothing except your own understanding.
"""

import jax, jax.numpy as jnp
import numpy as np

B, H, W, C = 1, 32, 32, 768
FF = 3072
E = 8
TOPK = 2
PS = 4


def setup_inputs(seed: int = 0) -> dict:
    key = jax.random.key(seed)
    ks = jax.random.split(key, 6)
    x = jax.random.normal(ks[0], (B, H, W, C), dtype=jnp.float32)
    # router gate weight: nn.Linear(C, E, bias=False), init normal std=0.01
    Wg = 0.01 * jax.random.normal(ks[1], (E, C), dtype=jnp.float32)
    # expert FFN weights, xavier_uniform, zero bias
    lim1 = float(np.sqrt(6.0 / (C + FF)))
    W1 = jax.random.uniform(ks[2], (E, FF, C), minval=-lim1, maxval=lim1, dtype=jnp.float32)
    b1 = jnp.zeros((E, FF), dtype=jnp.float32)
    lim2 = float(np.sqrt(6.0 / (FF + C)))
    W2 = jax.random.uniform(ks[3], (E, C, FF), minval=-lim2, maxval=lim2, dtype=jnp.float32)
    b2 = jnp.zeros((E, C), dtype=jnp.float32)
    return {"x": x, "Wg": Wg, "W1": W1, "b1": b1, "W2": W2, "b2": b2}


def reference(x, Wg, W1, b1, W2, b2):
    Bx, Hx, Wx, Cx = x.shape
    ph = pw = PS
    nph = Hx // ph
    npw = Wx // pw
    P = nph * npw
    # [B, C, H, W]
    x2 = jnp.transpose(x, (0, 3, 1, 2))
    # unfold into patches: [B, C, P, ph, pw]
    patches = x2.reshape(Bx, Cx, nph, ph, npw, pw)
    patches = jnp.transpose(patches, (0, 1, 2, 4, 3, 5)).reshape(Bx, Cx, P, ph, pw)
    # --- PatchLevelRouter ---
    # AdaptiveAvgPool2d(1) per patch -> mean over spatial dims
    pooled = patches.mean(axis=(3, 4))                 # [B, C, P]
    pooled = jnp.transpose(pooled, (0, 2, 1)).reshape(Bx * P, Cx)
    router_logits = pooled @ Wg.T                      # [B*P, E]
    router_probs = jax.nn.softmax(router_logits, axis=-1)
    expert_weights, expert_indices = jax.lax.top_k(router_probs, TOPK)
    expert_weights = expert_weights / (expert_weights.sum(axis=-1, keepdims=True) + 1e-9)
    # --- expert computation over patch tokens ---
    tokens = jnp.transpose(patches, (0, 2, 3, 4, 1)).reshape(Bx * P, ph * pw, Cx)
    out = jnp.zeros_like(tokens)
    for e in range(E):
        h = tokens @ W1[e].T + b1[e]
        h = jax.nn.gelu(h, approximate=False)
        y = h @ W2[e].T + b2[e]
        we = jnp.sum(expert_weights * (expert_indices == e).astype(expert_weights.dtype), axis=-1)
        out = out + we[:, None, None] * y
    # reassemble to [B, H, W, C]
    out2 = out.reshape(Bx, nph, npw, ph, pw, Cx)
    out2 = jnp.transpose(out2, (0, 1, 3, 2, 4, 5)).reshape(Bx, Hx, Wx, Cx)
    return out2

if __name__ == "__main__":
    import jax
    _d = setup_inputs()
    print(jax.jit(kernel)(*tuple(_d.values())))

</pallas_src>

<mosaic_0001>
#map = affine_map<(d0, d1) -> (0)>
#map1 = affine_map<(d0, d1) -> (0, 0)>
module attributes {stable_mosaic.version = 14 : i64} {
  func.func @_sc_gather(%arg0: i32, %arg1: i32, %arg2: memref<256xi32, #tpu.memory_space<hbm>>, %arg3: memref<64x12288xf32, #tpu.memory_space<hbm>>, %arg4: memref<256x12288xf32, #tpu.memory_space<hbm>>, %arg5: memref<8xi32, #tpu.memory_space<vmem>>, %arg6: memref<8x12288xf32, #tpu.memory_space<vmem>>, %arg7: memref<!tpu.dma_semaphore, #tpu.memory_space<semaphore_mem>>) attributes {dimension_semantics = [#tpu.dimension_semantics<core_parallel>, #tpu.dimension_semantics<subcore_parallel>], iteration_bounds = array<i64: 2, 16>, scalar_prefetch = 0 : i64, scratch_operands = 3 : i64, tpu.core_type = #tpu.core_type<sc_vector_subcore>, window_params = [{transform_indices = #map}, {transform_indices = #map1}, {transform_indices = #map1}]} {
    %mul3A = arith.constant 2 : i32
    %mul3A_0 = arith.muli %arg1, %mul3A : i32
    %add3A = arith.addi %mul3A_0, %arg0 : i32
    %mul3A_1 = arith.constant 8 : i32
    %mul3A_2 = arith.muli %add3A, %mul3A_1 : i32
    "tpu.region"() ({
      %run_scoped3A = tpu.sem_alloc : memref<!tpu.dma_semaphore, #tpu.memory_space<semaphore_mem>>
      %dma_start3A_7 = tpu.memref_slice %arg2[%mul3A_2] : memref<256xi32, #tpu.memory_space<hbm>> -> memref<8xi32, #tpu.memory_space<hbm>>
      %dma_start3A_8 = tpu.memref_slice %arg2[%mul3A_2] : memref<256xi32, #tpu.memory_space<hbm>> -> memref<8xi32, #tpu.memory_space<hbm>>
      tpu.enqueue_dma source(%dma_start3A_8 : memref<8xi32, #tpu.memory_space<hbm>>) target(%arg5 : memref<8xi32, #tpu.memory_space<vmem>>) target_semaphore(%run_scoped3A : memref<!tpu.dma_semaphore, #tpu.memory_space<semaphore_mem>>)
      %dma_wait3A_9 = tpu.memref_slice %arg2[%mul3A_2] : memref<256xi32, #tpu.memory_space<hbm>> -> memref<8xi32, #tpu.memory_space<hbm>>
      %dma_wait3A_10 = tpu.memref_slice %arg2[%mul3A_2] : memref<256xi32, #tpu.memory_space<hbm>> -> memref<8xi32, #tpu.memory_space<hbm>>
      tpu.wait_dma2 semaphore(%run_scoped3A : memref<!tpu.dma_semaphore, #tpu.memory_space<semaphore_mem>>) src(%dma_wait3A_10 : memref<8xi32, #tpu.memory_space<hbm>>) dst(%arg5 : memref<8xi32, #tpu.memory_space<vmem>>)
      tpu.yield
    }) : () -> ()
    %dma_start3A = arith.constant 0 : i32
    %dma_start3A_3 = arith.constant 0 : i32
    %dma_start3A_4 = tpu.memref_slice %arg3[%dma_start3A, %dma_start3A_3] : memref<64x12288xf32, #tpu.memory_space<hbm>> -> memref<64x12288xf32, #tpu.memory_space<hbm>>
    tpu.enqueue_indirect_dma source(%dma_start3A_4 : memref<64x12288xf32, #tpu.memory_space<hbm>>) target(%arg6 : memref<8x12288xf32, #tpu.memory_space<vmem>>) offsets(%arg5 : memref<8xi32, #tpu.memory_space<vmem>>) semaphore(%arg7 : memref<!tpu.dma_semaphore, #tpu.memory_space<semaphore_mem>>)
    %dma_wait3A = arith.constant 0 : i32
    %dma_wait3A_5 = arith.constant 0 : i32
    %dma_wait3A_6 = tpu.memref_slice %arg3[%dma_wait3A, %dma_wait3A_5] : memref<64x12288xf32, #tpu.memory_space<hbm>> -> memref<64x12288xf32, #tpu.memory_space<hbm>>
    tpu.wait_indirect_dma semaphore(%arg7 : memref<!tpu.dma_semaphore, #tpu.memory_space<semaphore_mem>>) src(%dma_wait3A_6 : memref<64x12288xf32, #tpu.memory_space<hbm>>) dst(%arg6 : memref<8x12288xf32, #tpu.memory_space<vmem>>)
    "tpu.region"() ({
      %run_scoped3A = tpu.sem_alloc : memref<!tpu.dma_semaphore, #tpu.memory_space<semaphore_mem>>
      %dma_start3A_7 = arith.constant 0 : i32
      %dma_start3A_8 = tpu.memref_slice %arg4[%mul3A_2, %dma_start3A_7] : memref<256x12288xf32, #tpu.memory_space<hbm>> -> memref<8x12288xf32, #tpu.memory_space<hbm>>
      %dma_start3A_9 = arith.constant 0 : i32
      %dma_start3A_10 = tpu.memref_slice %arg4[%mul3A_2, %dma_start3A_9] : memref<256x12288xf32, #tpu.memory_space<hbm>> -> memref<8x12288xf32, #tpu.memory_space<hbm>>
      tpu.enqueue_dma source(%arg6 : memref<8x12288xf32, #tpu.memory_space<vmem>>) target(%dma_start3A_10 : memref<8x12288xf32, #tpu.memory_space<hbm>>) target_semaphore(%run_scoped3A : memref<!tpu.dma_semaphore, #tpu.memory_space<semaphore_mem>>)
      %dma_wait3A_11 = arith.constant 0 : i32
      %dma_wait3A_12 = tpu.memref_slice %arg4[%mul3A_2, %dma_wait3A_11] : memref<256x12288xf32, #tpu.memory_space<hbm>> -> memref<8x12288xf32, #tpu.memory_space<hbm>>
      %dma_wait3A_13 = arith.constant 0 : i32
      %dma_wait3A_14 = tpu.memref_slice %arg4[%mul3A_2, %dma_wait3A_13] : memref<256x12288xf32, #tpu.memory_space<hbm>> -> memref<8x12288xf32, #tpu.memory_space<hbm>>
      tpu.wait_dma2 semaphore(%run_scoped3A : memref<!tpu.dma_semaphore, #tpu.memory_space<semaphore_mem>>) src(%arg6 : memref<8x12288xf32, #tpu.memory_space<vmem>>) dst(%dma_wait3A_14 : memref<8x12288xf32, #tpu.memory_space<hbm>>)
      tpu.yield
    }) : () -> ()
    return
  }
}

module attributes {stable_mosaic.version = 14 : i64} {
  func.func @_router_body(%arg0: i32, %arg1: memref<1024x768xf32, #tpu.memory_space<vmem>>, %arg2: memref<8x768xf32, #tpu.memory_space<vmem>>, %arg3: memref<1x256xi32, #tpu.memory_space<vmem>>, %arg4: memref<1x32xi32, #tpu.memory_space<vmem>>, %arg5: memref<1x32xi32, #tpu.memory_space<vmem>>, %arg6: memref<1x32xi32, #tpu.memory_space<vmem>>, %arg7: memref<256x16xf32, #tpu.memory_space<vmem>>, %arg8: memref<64x16xi32, #tpu.memory_space<vmem>>, %arg9: memref<64x16xi32, #tpu.memory_space<vmem>>) attributes {dimension_semantics = [#tpu.dimension_semantics<arbitrary>], iteration_bounds = array<i64: 1>, scalar_prefetch = 0 : i64, scratch_operands = 0 : i64, tpu.core_type = #tpu.core_type<tc>, window_params = [{pipeline_mode = #tpu.pipeline_mode<synchronous>, transform_indices = @transform_0, window_bounds = array<i64: 1024, 768>}, {pipeline_mode = #tpu.pipeline_mode<synchronous>, transform_indices = @transform_1, window_bounds = array<i64: 8, 768>}, {pipeline_mode = #tpu.pipeline_mode<synchronous>, transform_indices = @transform_2, window_bounds = array<i64: 1, 256>}, {pipeline_mode = #tpu.pipeline_mode<synchronous>, transform_indices = @transform_3, window_bounds = array<i64: 1, 32>}, {pipeline_mode = #tpu.pipeline_mode<synchronous>, transform_indices = @transform_4, window_bounds = array<i64: 1, 32>}, {pipeline_mode = #tpu.pipeline_mode<synchronous>, transform_indices = @transform_5, window_bounds = array<i64: 1, 32>}, {pipeline_mode = #tpu.pipeline_mode<synchronous>, transform_indices = @transform_6, window_bounds = array<i64: 256, 16>}, {pipeline_mode = #tpu.pipeline_mode<synchronous>, transform_indices = @transform_7, window_bounds = array<i64: 64, 16>}, {pipeline_mode = #tpu.pipeline_mode<synchronous>, transform_indices = @transform_8, window_bounds = array<i64: 64, 16>}]} {
    %get3A = arith.constant 0 : index
    %get3A_0 = arith.constant 0 : index
    %get3A_1 = vector.load %arg1[%get3A, %get3A_0] : memref<1024x768xf32, #tpu.memory_space<vmem>>, vector<1024x768xf32>
    %iota3A = tpu.iota {dimensions = array<i32: 1>} : vector<64x1024xi32>
    %iota3A_2 = tpu.iota {dimensions = array<i32: 0>} : vector<64x1024xi32>
    %jit3A = arith.constant 16 : i32
    %div3A = vector.broadcast %jit3A : i32 to vector<64x1024xi32>
    %div3A_3 = arith.divsi %iota3A, %div3A : vector<64x1024xi32>
    %sign3A = arith.constant 0 : i32
    %sign3A_4 = vector.broadcast %sign3A : i32 to vector<64x1024xi32>
    %sign3A_5 = arith.cmpi sgt, %iota3A, %sign3A_4 : vector<64x1024xi32>
    %sign3A_6 = arith.extui %sign3A_5 : vector<64x1024xi1> to vector<64x1024xi32>
    %sign3A_7 = arith.constant 0 : i32
    %sign3A_8 = vector.broadcast %sign3A_7 : i32 to vector<64x1024xi32>
    %sign3A_9 = arith.cmpi slt, %iota3A, %sign3A_8 : vector<64x1024xi32>
    %sign3A_10 = arith.extui %sign3A_9 : vector<64x1024xi1> to vector<64x1024xi32>
    %sign3A_11 = arith.subi %sign3A_6, %sign3A_10 : vector<64x1024xi32>
    %sign3A_12 = arith.constant 0 : i32
    %sign3A_13 = arith.cmpi sgt, %jit3A, %sign3A_12 : i32
    %sign3A_14 = arith.extui %sign3A_13 : i1 to i32
    %sign3A_15 = arith.constant 0 : i32
    %sign3A_16 = arith.cmpi slt, %jit3A, %sign3A_15 : i32
    %sign3A_17 = arith.extui %sign3A_16 : i1 to i32
    %sign3A_18 = arith.subi %sign3A_14, %sign3A_17 : i32
    %ne3A = vector.broadcast %sign3A_18 : i32 to vector<64x1024xi32>
    %ne3A_19 = arith.cmpi ne, %sign3A_11, %ne3A : vector<64x1024xi32>
    %rem3A = vector.broadcast %jit3A : i32 to vector<64x1024xi32>
    %rem3A_20 = arith.remsi %iota3A, %rem3A : vector<64x1024xi32>
    %ne3A_21 = arith.constant 0 : i32
    %ne3A_22 = vector.broadcast %ne3A_21 : i32 to vector<64x1024xi32>
    %ne3A_23 = arith.cmpi ne, %rem3A_20, %ne3A_22 : vector<64x1024xi32>
    %and3A = arith.andi %ne3A_19, %ne3A_23 : vector<64x1024xi1>
    %sub3A = arith.constant 1 : i32
    %sub3A_24 = vector.broadcast %sub3A : i32 to vector<64x1024xi32>
    %sub3A_25 = arith.subi %div3A_3, %sub3A_24 : vector<64x1024xi32>
    %select_n3A = arith.select %and3A, %sub3A_25, %div3A_3 : vector<64x1024xi1>, vector<64x1024xi32>
    %eq3A = arith.cmpi eq, %select_n3A, %iota3A_2 : vector<64x1024xi32>
    %jit3A_26 = arith.constant 6.250000e-02 : f32
    %jit3A_27 = arith.constant 0.000000e+00 : f32
    %broadcast_in_dim3A = vector.broadcast %jit3A_26 : f32 to vector<64x1024xf32>
    %broadcast_in_dim3A_28 = vector.broadcast %jit3A_27 : f32 to vector<64x1024xf32>
    %select_n3A_29 = arith.select %eq3A, %broadcast_in_dim3A, %broadcast_in_dim3A_28 : vector<64x1024xi1>, vector<64x1024xf32>
    %dot_general3A = arith.constant dense<0.000000e+00> : vector<64x768xf32>
    %dot_general3A_30 = tpu.matmul %select_n3A_29, %get3A_1, %dot_general3A {dimension_numbers = #tpu.dot_dimension_numbers<[1], [0], [0], [1], [0, 0, 1, 1], [], []>, precision = #tpu.contract_precision<fp32>, transpose_lhs_hint = false} : vector<64x1024xf32>, vector<1024x768xf32>, vector<64x768xf32> -> vector<64x768xf32>
    %get3A_31 = arith.constant 0 : index
    %get3A_32 = arith.constant 0 : index
    %get3A_33 = vector.load %arg2[%get3A_31, %get3A_32] : memref<8x768xf32, #tpu.memory_space<vmem>>, vector<8x768xf32>
    %dot_general3A_34 = arith.constant dense<0.000000e+00> : vector<64x8xf32>
    %dot_general3A_35 = tpu.matmul %dot_general3A_30, %get3A_33, %dot_general3A_34 {dimension_numbers = #tpu.dot_dimension_numbers<[1], [1], [0], [0], [0, 0, 1, 0], [], []>, precision = #tpu.contract_precision<fp32>, transpose_lhs_hint = false} : vector<64x768xf32>, vector<8x768xf32>, vector<64x8xf32> -> vector<64x8xf32>
    %reduce_max3A = arith.constant dense<0xFF800000> : vector<64xf32>
    %reduce_max3A_36 = vector.multi_reduction <maximumf>, %dot_general3A_35, %reduce_max3A [1] : vector<64x8xf32> to vector<64xf32>
    %max3A = arith.constant 0xFF800000 : f32
    %max3A_37 = vector.broadcast %max3A : f32 to vector<64xf32>
    %max3A_38 = arith.maximumf %max3A_37, %reduce_max3A_36 : vector<64xf32>
    %broadcast_in_dim3A_39 = vector.shape_cast %max3A_38 : vector<64xf32> to vector<64x1xf32>
    %sub3A_40 = vector.broadcast %broadcast_in_dim3A_39 : vector<64x1xf32> to vector<64x8xf32>
    %sub3A_41 = arith.subf %dot_general3A_35, %sub3A_40 : vector<64x8xf32>
    %exp3A = math.exp %sub3A_41 : vector<64x8xf32>
    %reduce_sum3A = arith.constant dense<0.000000e+00> : vector<64xf32>
    %reduce_sum3A_42 = vector.multi_reduction <add>, %exp3A, %reduce_sum3A [1] : vector<64x8xf32> to vector<64xf32>
    %broadcast_in_dim3A_43 = vector.shape_cast %reduce_sum3A_42 : vector<64xf32> to vector<64x1xf32>
    %div3A_44 = vector.broadcast %broadcast_in_dim3A_43 : vector<64x1xf32> to vector<64x8xf32>
    %div3A_45 = arith.divf %exp3A, %div3A_44 : vector<64x8xf32>
    %iota3A_46 = tpu.iota {dimensions = array<i32: 1>} : vector<64x8xi32>
    %reduce_max3A_47 = arith.constant dense<0xFF800000> : vector<64xf32>
    %reduce_max3A_48 = vector.multi_reduction <maximumf>, %div3A_45, %reduce_max3A_47 [1] : vector<64x8xf32> to vector<64xf32>
    %broadcast_in_dim3A_49 = vector.shape_cast %reduce_max3A_48 : vector<64xf32> to vector<64x1xf32>
    %eq3A_50 = vector.broadcast %broadcast_in_dim3A_49 : vector<64x1xf32> to vector<64x8xf32>
    %eq3A_51 = arith.cmpf oeq, %div3A_45, %eq3A_50 : vector<64x8xf32>
    %jit3A_52 = arith.constant 8 : i32
    %broadcast_in_dim3A_53 = vector.broadcast %jit3A_52 : i32 to vector<64x8xi32>
    %select_n3A_54 = arith.select %eq3A_51, %iota3A_46, %broadcast_in_dim3A_53 : vector<64x8xi1>, vector<64x8xi32>
    %reduce_min3A = arith.constant dense<2147483647> : vector<64xi32>
    %reduce_min3A_55 = vector.multi_reduction <minsi>, %select_n3A_54, %reduce_min3A [1] : vector<64x8xi32> to vector<64xi32>
    %broadcast_in_dim3A_56 = vector.shape_cast %reduce_min3A_55 : vector<64xi32> to vector<64x1xi32>
    %eq3A_57 = vector.broadcast %broadcast_in_dim3A_56 : vector<64x1xi32> to vector<64x8xi32>
    %eq3A_58 = arith.cmpi eq, %iota3A_46, %eq3A_57 : vector<64x8xi32>
    %jit3A_59 = arith.constant 0xFF800000 : f32
    %broadcast_in_dim3A_60 = vector.broadcast %jit3A_59 : f32 to vector<64x8xf32>
    %select_n3A_61 = arith.select %eq3A_58, %broadcast_in_dim3A_60, %div3A_45 : vector<64x8xi1>, vector<64x8xf32>
    %reduce_max3A_62 = arith.constant dense<0xFF800000> : vector<64xf32>
    %reduce_max3A_63 = vector.multi_reduction <maximumf>, %select_n3A_61, %reduce_max3A_62 [1] : vector<64x8xf32> to vector<64xf32>
    %broadcast_in_dim3A_64 = vector.shape_cast %reduce_max3A_63 : vector<64xf32> to vector<64x1xf32>
    %eq3A_65 = vector.broadcast %broadcast_in_dim3A_64 : vector<64x1xf32> to vector<64x8xf32>
    %eq3A_66 = arith.cmpf oeq, %select_n3A_61, %eq3A_65 : vector<64x8xf32>
    %jit3A_67 = arith.constant 8 : i32
    %broadcast_in_dim3A_68 = vector.broadcast %jit3A_67 : i32 to vector<64x8xi32>
    %select_n3A_69 = arith.select %eq3A_66, %iota3A_46, %broadcast_in_dim3A_68 : vector<64x8xi1>, vector<64x8xi32>
    %reduce_min3A_70 = arith.constant dense<2147483647> : vector<64xi32>
    %reduce_min3A_71 = vector.multi_reduction <minsi>, %select_n3A_69, %reduce_min3A_70 [1] : vector<64x8xi32> to vector<64xi32>
    %broadcast_in_dim3A_72 = vector.shape_cast %reduce_min3A_71 : vector<64xi32> to vector<64x1xi32>
    %add3A = arith.addf %broadcast_in_dim3A_49, %broadcast_in_dim3A_64 : vector<64x1xf32>
    %add3A_73 = arith.constant 9.99999971E-10 : f32
    %add3A_74 = vector.broadcast %add3A_73 : f32 to vector<64x1xf32>
    %add3A_75 = arith.addf %add3A, %add3A_74 : vector<64x1xf32>
    %div3A_76 = arith.divf %broadcast_in_dim3A_49, %add3A_75 : vector<64x1xf32>
    %div3A_77 = arith.divf %broadcast_in_dim3A_64, %add3A_75 : vector<64x1xf32>
    %eq3A_78 = vector.broadcast %broadcast_in_dim3A_56 : vector<64x1xi32> to vector<64x8xi32>
    %eq3A_79 = arith.cmpi eq, %iota3A_46, %eq3A_78 : vector<64x8xi32>
    %eq3A_80 = vector.broadcast %broadcast_in_dim3A_72 : vector<64x1xi32> to vector<64x8xi32>
    %eq3A_81 = arith.cmpi eq, %iota3A_46, %eq3A_80 : vector<64x8xi32>
    %or3A = arith.ori %eq3A_79, %eq3A_81 : vector<64x8xi1>
    %convert_element_type3A = arith.extui %or3A : vector<64x8xi1> to vector<64x8xi32>
    %convert_element_type3A_82 = arith.sitofp %convert_element_type3A : vector<64x8xi32> to vector<64x8xf32>
    %iota3A_83 = tpu.iota {dimensions = array<i32: 0>} : vector<64x64xi32>
    %iota3A_84 = tpu.iota {dimensions = array<i32: 1>} : vector<64x64xi32>
    %lt3A = arith.cmpi slt, %iota3A_84, %iota3A_83 : vector<64x64xi32>
    %convert_element_type3A_85 = arith.extui %lt3A : vector<64x64xi1> to vector<64x64xi32>
    %convert_element_type3A_86 = arith.sitofp %convert_element_type3A_85 : vector<64x64xi32> to vector<64x64xf32>
    %dot_general3A_87 = arith.constant dense<0.000000e+00> : vector<64x8xf32>
    %dot_general3A_88 = tpu.matmul %convert_element_type3A_86, %convert_element_type3A_82, %dot_general3A_87 {dimension_numbers = #tpu.dot_dimension_numbers<[1], [0], [0], [1], [0, 0, 1, 1], [], []>, precision = #tpu.contract_precision<fp32>, transpose_lhs_hint = false} : vector<64x64xf32>, vector<64x8xf32>, vector<64x8xf32> -> vector<64x8xf32>
    %reduce_sum3A_89 = arith.constant dense<0.000000e+00> : vector<8xf32>
    %reduce_sum3A_90 = vector.multi_reduction <add>, %convert_element_type3A_82, %reduce_sum3A_89 [0] : vector<64x8xf32> to vector<8xf32>
    %broadcast_in_dim3A_91 = vector.shape_cast %reduce_sum3A_90 : vector<8xf32> to vector<1x8xf32>
    %convert_element_type3A_92 = arith.fptosi %broadcast_in_dim3A_91 : vector<1x8xf32> to vector<1x8xi32>
    %add3A_93 = arith.constant 7 : i32
    %add3A_94 = vector.broadcast %add3A_93 : i32 to vector<1x8xi32>
    %add3A_95 = arith.addi %convert_element_type3A_92, %add3A_94 : vector<1x8xi32>
    %jit3A_96 = arith.constant 8 : i32
    %div3A_97 = vector.broadcast %jit3A_96 : i32 to vector<1x8xi32>
    %div3A_98 = arith.divsi %add3A_95, %div3A_97 : vector<1x8xi32>
    %sign3A_99 = arith.constant 0 : i32
    %sign3A_100 = vector.broadcast %sign3A_99 : i32 to vector<1x8xi32>
    %sign3A_101 = arith.cmpi sgt, %add3A_95, %sign3A_100 : vector<1x8xi32>
    %sign3A_102 = arith.extui %sign3A_101 : vector<1x8xi1> to vector<1x8xi32>
    %sign3A_103 = arith.constant 0 : i32
    %sign3A_104 = vector.broadcast %sign3A_103 : i32 to vector<1x8xi32>
    %sign3A_105 = arith.cmpi slt, %add3A_95, %sign3A_104 : vector<1x8xi32>
    %sign3A_106 = arith.extui %sign3A_105 : vector<1x8xi1> to vector<1x8xi32>
    %sign3A_107 = arith.subi %sign3A_102, %sign3A_106 : vector<1x8xi32>
    %sign3A_108 = arith.constant 0 : i32
    %sign3A_109 = arith.cmpi sgt, %jit3A_96, %sign3A_108 : i32
    %sign3A_110 = arith.extui %sign3A_109 : i1 to i32
    %sign3A_111 = arith.constant 0 : i32
    %sign3A_112 = arith.cmpi slt, %jit3A_96, %sign3A_111 : i32
    %sign3A_113 = arith.extui %sign3A_112 : i1 to i32
    %sign3A_114 = arith.subi %sign3A_110, %sign3A_113 : i32
    %ne3A_115 = vector.broadcast %sign3A_114 : i32 to vector<1x8xi32>
    %ne3A_116 = arith.cmpi ne, %sign3A_107, %ne3A_115 : vector<1x8xi32>
    %rem3A_117 = vector.broadcast %jit3A_96 : i32 to vector<1x8xi32>
    %rem3A_118 = arith.remsi %add3A_95, %rem3A_117 : vector<1x8xi32>
    %ne3A_119 = arith.constant 0 : i32
    %ne3A_120 = vector.broadcast %ne3A_119 : i32 to vector<1x8xi32>
    %ne3A_121 = arith.cmpi ne, %rem3A_118, %ne3A_120 : vector<1x8xi32>
    %and3A_122 = arith.andi %ne3A_116, %ne3A_121 : vector<1x8xi1>
    %sub3A_123 = arith.constant 1 : i32
    %sub3A_124 = vector.broadcast %sub3A_123 : i32 to vector<1x8xi32>
    %sub3A_125 = arith.subi %div3A_98, %sub3A_124 : vector<1x8xi32>
    %select_n3A_126 = arith.select %and3A_122, %sub3A_125, %div3A_98 : vector<1x8xi1>, vector<1x8xi32>
    %mul3A = arith.constant 8 : i32
    %mul3A_127 = vector.broadcast %mul3A : i32 to vector<1x8xi32>
    %mul3A_128 = arith.muli %select_n3A_126, %mul3A_127 : vector<1x8xi32>
    %iota3A_129 = tpu.iota {dimensions = array<i32: 0>} : vector<8x8xi32>
    %iota3A_130 = tpu.iota {dimensions = array<i32: 1>} : vector<8x8xi32>
    %lt3A_131 = arith.cmpi slt, %iota3A_129, %iota3A_130 : vector<8x8xi32>
    %convert_element_type3A_132 = arith.extui %lt3A_131 : vector<8x8xi1> to vector<8x8xi32>
    %convert_element_type3A_133 = arith.sitofp %convert_element_type3A_132 : vector<8x8xi32> to vector<8x8xf32>
    %convert_element_type3A_134 = arith.sitofp %mul3A_128 : vector<1x8xi32> to vector<1x8xf32>
    %dot_general3A_135 = arith.constant dense<0.000000e+00> : vector<1x8xf32>
    %dot_general3A_136 = tpu.matmul %convert_element_type3A_134, %convert_element_type3A_133, %dot_general3A_135 {dimension_numbers = #tpu.dot_dimension_numbers<[1], [0], [0], [1], [0, 0, 1, 1], [], []>, precision = #tpu.contract_precision<fp32>, transpose_lhs_hint = false} : vector<1x8xf32>, vector<8x8xf32>, vector<1x8xf32> -> vector<1x8xf32>
    %add3A_137 = vector.broadcast %dot_general3A_136 : vector<1x8xf32> to vector<64x8xf32>
    %add3A_138 = arith.addf %add3A_137, %dot_general3A_88 : vector<64x8xf32>
    %eq3A_139 = vector.broadcast %broadcast_in_dim3A_56 : vector<64x1xi32> to vector<64x8xi32>
    %eq3A_140 = arith.cmpi eq, %iota3A_46, %eq3A_139 : vector<64x8xi32>
    %convert_element_type3A_141 = arith.extui %eq3A_140 : vector<64x8xi1> to vector<64x8xi32>
    %convert_element_type3A_142 = arith.sitofp %convert_element_type3A_141 : vector<64x8xi32> to vector<64x8xf32>
    %eq3A_143 = vector.broadcast %broadcast_in_dim3A_72 : vector<64x1xi32> to vector<64x8xi32>
    %eq3A_144 = arith.cmpi eq, %iota3A_46, %eq3A_143 : vector<64x8xi32>
    %convert_element_type3A_145 = arith.extui %eq3A_144 : vector<64x8xi1> to vector<64x8xi32>
    %convert_element_type3A_146 = arith.sitofp %convert_element_type3A_145 : vector<64x8xi32> to vector<64x8xf32>
    %mul3A_147 = arith.mulf %add3A_138, %convert_element_type3A_142 : vector<64x8xf32>
    %reduce_sum3A_148 = arith.constant dense<0.000000e+00> : vector<64xf32>
    %reduce_sum3A_149 = vector.multi_reduction <add>, %mul3A_147, %reduce_sum3A_148 [1] : vector<64x8xf32> to vector<64xf32>
    %broadcast_in_dim3A_150 = vector.shape_cast %reduce_sum3A_149 : vector<64xf32> to vector<64x1xf32>
    %mul3A_151 = arith.mulf %add3A_138, %convert_element_type3A_146 : vector<64x8xf32>
    %reduce_sum3A_152 = arith.constant dense<0.000000e+00> : vector<64xf32>
    %reduce_sum3A_153 = vector.multi_reduction <add>, %mul3A_151, %reduce_sum3A_152 [1] : vector<64x8xf32> to vector<64xf32>
    %broadcast_in_dim3A_154 = vector.shape_cast %reduce_sum3A_153 : vector<64xf32> to vector<64x1xf32>
    %convert_element_type3A_155 = arith.fptosi %broadcast_in_dim3A_150 : vector<64x1xf32> to vector<64x1xi32>
    %convert_element_type3A_156 = arith.fptosi %broadcast_in_dim3A_154 : vector<64x1xf32> to vector<64x1xi32>
    %reduce_sum3A_157 = vector.shape_cast %mul3A_128 : vector<1x8xi32> to vector<1x1x8xi32>
    %reduce_sum3A_158 = arith.constant dense<0> : vector<1xi32>
    %reduce_sum3A_159 = vector.multi_reduction <add>, %reduce_sum3A_157, %reduce_sum3A_158 [1, 2] : vector<1x1x8xi32> to vector<1xi32>
    %reduce_sum3A_160 = vector.shape_cast %reduce_sum3A_159 : vector<1xi32> to vector<1x1x1xi32>
    %reduce_sum3A_161 = vector.extract %reduce_sum3A_160[0, 0, 0] : i32 from vector<1x1x1xi32>
    %jit3A_162 = arith.constant 8 : i32
    %div3A_163 = arith.divsi %reduce_sum3A_161, %jit3A_162 : i32
    %sign3A_164 = arith.constant 0 : i32
    %sign3A_165 = arith.cmpi sgt, %reduce_sum3A_161, %sign3A_164 : i32
    %sign3A_166 = arith.extui %sign3A_165 : i1 to i32
    %sign3A_167 = arith.constant 0 : i32
    %sign3A_168 = arith.cmpi slt, %reduce_sum3A_161, %sign3A_167 : i32
    %sign3A_169 = arith.extui %sign3A_168 : i1 to i32
    %sign3A_170 = arith.subi %sign3A_166, %sign3A_169 : i32
    %sign3A_171 = arith.constant 0 : i32
    %sign3A_172 = arith.cmpi sgt, %jit3A_162, %sign3A_171 : i32
    %sign3A_173 = arith.extui %sign3A_172 : i1 to i32
    %sign3A_174 = arith.constant 0 : i32
    %sign3A_175 = arith.cmpi slt, %jit3A_162, %sign3A_174 : i32
    %sign3A_176 = arith.extui %sign3A_175 : i1 to i32
    %sign3A_177 = arith.subi %sign3A_173, %sign3A_176 : i32
    %ne3A_178 = arith.cmpi ne, %sign3A_170, %sign3A_177 : i32
    %rem3A_179 = arith.remsi %reduce_sum3A_161, %jit3A_162 : i32
    %ne3A_180 = arith.constant 0 : i32
    %ne3A_181 = arith.cmpi ne, %rem3A_179, %ne3A_180 : i32
    %and3A_182 = arith.andi %ne3A_178, %ne3A_181 : i1
    %sub3A_183 = arith.constant 1 : i32
    %sub3A_184 = arith.subi %div3A_163, %sub3A_183 : i32
    %select_n3A_185 = arith.select %and3A_182, %sub3A_184, %div3A_163 : i32
    %iota3A_186 = tpu.iota {dimensions = array<i32: 1>} : vector<64x256xi32>
    %iota3A_187 = tpu.iota {dimensions = array<i32: 0>} : vector<64x256xi32>
    %eq3A_188 = vector.broadcast %convert_element_type3A_155 : vector<64x1xi32> to vector<64x256xi32>
    %eq3A_189 = arith.cmpi eq, %iota3A_186, %eq3A_188 : vector<64x256xi32>
    %eq3A_190 = vector.broadcast %convert_element_type3A_156 : vector<64x1xi32> to vector<64x256xi32>
    %eq3A_191 = arith.cmpi eq, %iota3A_186, %eq3A_190 : vector<64x256xi32>
    %or3A_192 = arith.ori %eq3A_189, %eq3A_191 : vector<64x256xi1>
    %convert_element_type3A_193 = arith.extui %or3A_192 : vector<64x256xi1> to vector<64x256xi32>
    %mul3A_194 = arith.muli %convert_element_type3A_193, %iota3A_187 : vector<64x256xi32>
    %reduce_sum3A_195 = arith.constant dense<0> : vector<256xi32>
    %reduce_sum3A_196 = vector.multi_reduction <add>, %mul3A_194, %reduce_sum3A_195 [0] : vector<64x256xi32> to vector<256xi32>
    %broadcast_in_dim3A_197 = vector.shape_cast %reduce_sum3A_196 : vector<256xi32> to vector<1x256xi32>
    %swap3A = arith.constant 0 : index
    %swap3A_198 = arith.constant 0 : index
    %swap3A_199 = vector.load %arg3[%swap3A, %swap3A_198] : memref<1x256xi32, #tpu.memory_space<vmem>>, vector<1x256xi32>
    tpu.vector_store %arg3[%swap3A, %swap3A_198], %broadcast_in_dim3A_197 {strides = array<i32>} : memref<1x256xi32, #tpu.memory_space<vmem>>, vector<1x256xi32>,
    %convert_element_type3A_200 = arith.fptosi %dot_general3A_136 : vector<1x8xf32> to vector<1x8xi32>
    %jit3A_201 = arith.constant 8 : i32
    %div3A_202 = vector.broadcast %jit3A_201 : i32 to vector<1x8xi32>
    %div3A_203 = arith.divsi %convert_element_type3A_200, %div3A_202 : vector<1x8xi32>
    %sign3A_204 = arith.constant 0 : i32
    %sign3A_205 = vector.broadcast %sign3A_204 : i32 to vector<1x8xi32>
    %sign3A_206 = arith.cmpi sgt, %convert_element_type3A_200, %sign3A_205 : vector<1x8xi32>
    %sign3A_207 = arith.extui %sign3A_206 : vector<1x8xi1> to vector<1x8xi32>
    %sign3A_208 = arith.constant 0 : i32
    %sign3A_209 = vector.broadcast %sign3A_208 : i32 to vector<1x8xi32>
    %sign3A_210 = arith.cmpi slt, %convert_element_type3A_200, %sign3A_209 : vector<1x8xi32>
    %sign3A_211 = arith.extui %sign3A_210 : vector<1x8xi1> to vector<1x8xi32>
    %sign3A_212 = arith.subi %sign3A_207, %sign3A_211 : vector<1x8xi32>
    %sign3A_213 = arith.constant 0 : i32
    %sign3A_214 = arith.cmpi sgt, %jit3A_201, %sign3A_213 : i32
    %sign3A_215 = arith.extui %sign3A_214 : i1 to i32
    %sign3A_216 = arith.constant 0 : i32
    %sign3A_217 = arith.cmpi slt, %jit3A_201, %sign3A_216 : i32
    %sign3A_218 = arith.extui %sign3A_217 : i1 to i32
    %sign3A_219 = arith.subi %sign3A_215, %sign3A_218 : i32
    %ne3A_220 = vector.broadcast %sign3A_219 : i32 to vector<1x8xi32>
    %ne3A_221 = arith.cmpi ne, %sign3A_212, %ne3A_220 : vector<1x8xi32>
    %rem3A_222 = vector.broadcast %jit3A_201 : i32 to vector<1x8xi32>
    %rem3A_223 = arith.remsi %convert_element_type3A_200, %rem3A_222 : vector<1x8xi32>
    %ne3A_224 = arith.constant 0 : i32
    %ne3A_225 = vector.broadcast %ne3A_224 : i32 to vector<1x8xi32>
    %ne3A_226 = arith.cmpi ne, %rem3A_223, %ne3A_225 : vector<1x8xi32>
    %and3A_227 = arith.andi %ne3A_221, %ne3A_226 : vector<1x8xi1>
    %sub3A_228 = arith.constant 1 : i32
    %sub3A_229 = vector.broadcast %sub3A_228 : i32 to vector<1x8xi32>
    %sub3A_230 = arith.subi %div3A_203, %sub3A_229 : vector<1x8xi32>
    %select_n3A_231 = arith.select %and3A_227, %sub3A_230, %div3A_203 : vector<1x8xi1>, vector<1x8xi32>
    %convert_element_type3A_232 = arith.sitofp %select_n3A_231 : vector<1x8xi32> to vector<1x8xf32>
    %iota3A_233 = tpu.iota {dimensions = array<i32: 0>} : vector<1x1xi32>
    %iota3A_234 = tpu.iota {dimensions = array<i32: 1>} : vector<1x1xi32>
    %add3A_235 = arith.constant 0 : i32
    %add3A_236 = vector.broadcast %add3A_235 : i32 to vector<1x1xi32>
    %add3A_237 = arith.addi %iota3A_233, %add3A_236 : vector<1x1xi32>
    %eq3A_238 = arith.cmpi eq, %add3A_237, %iota3A_234 : vector<1x1xi32>
    %convert_element_type3A_239 = arith.extui %eq3A_238 : vector<1x1xi1> to vector<1x1xi32>
    %convert_element_type3A_240 = arith.sitofp %convert_element_type3A_239 : vector<1x1xi32> to vector<1x1xf32>
    %dot_general3A_241 = arith.constant dense<0.000000e+00> : vector<8x1xf32>
    %dot_general3A_242 = tpu.matmul %convert_element_type3A_232, %convert_element_type3A_240, %dot_general3A_241 {dimension_numbers = #tpu.dot_dimension_numbers<[0], [0], [1], [1], [0, 1, 1, 1], [], []>, precision = #tpu.contract_precision<fp32>, transpose_lhs_hint = false} : vector<1x8xf32>, vector<1x1xf32>, vector<8x1xf32> -> vector<8x1xf32>
    %convert_element_type3A_243 = arith.fptosi %dot_general3A_242 : vector<8x1xf32> to vector<8x1xi32>
    %iota3A_244 = tpu.iota {dimensions = array<i32: 1>} : vector<8x32xi32>
    %ge3A = vector.broadcast %convert_element_type3A_243 : vector<8x1xi32> to vector<8x32xi32>
    %ge3A_245 = arith.cmpi sge, %iota3A_244, %ge3A : vector<8x32xi32>
    %convert_element_type3A_246 = arith.extui %ge3A_245 : vector<8x32xi1> to vector<8x32xi32>
    %reduce_sum3A_247 = arith.constant dense<0> : vector<32xi32>
    %reduce_sum3A_248 = vector.multi_reduction <add>, %convert_element_type3A_246, %reduce_sum3A_247 [0] : vector<8x32xi32> to vector<32xi32>
    %broadcast_in_dim3A_249 = vector.shape_cast %reduce_sum3A_248 : vector<32xi32> to vector<1x32xi32>
    %sub3A_250 = arith.constant 1 : i32
    %sub3A_251 = vector.broadcast %sub3A_250 : i32 to vector<1x32xi32>
    %sub3A_252 = arith.subi %broadcast_in_dim3A_249, %sub3A_251 : vector<1x32xi32>
    %swap3A_253 = arith.constant 0 : index
    %swap3A_254 = arith.constant 0 : index
    %swap3A_255 = vector.load %arg4[%swap3A_253, %swap3A_254] : memref<1x32xi32, #tpu.memory_space<vmem>>, vector<1x32xi32>
    tpu.vector_store %arg4[%swap3A_253, %swap3A_254], %sub3A_252 {strides = array<i32>} : memref<1x32xi32, #tpu.memory_space<vmem>>, vector<1x32xi32>,
    %iota3A_256 = tpu.iota {dimensions = array<i32: 1>} : vector<1x32xi32>
    %lt3A_257 = vector.broadcast %select_n3A_185 : i32 to vector<1x32xi32>
    %lt3A_258 = arith.cmpi slt, %iota3A_256, %lt3A_257 : vector<1x32xi32>
    %convert_element_type3A_259 = arith.extui %lt3A_258 : vector<1x32xi1> to vector<1x32xi32>
    %swap3A_260 = arith.constant 0 : index
    %swap3A_261 = arith.constant 0 : index
    %swap3A_262 = vector.load %arg5[%swap3A_260, %swap3A_261] : memref<1x32xi32, #tpu.memory_space<vmem>>, vector<1x32xi32>
    tpu.vector_store %arg5[%swap3A_260, %swap3A_261], %convert_element_type3A_259 {strides = array<i32>} : memref<1x32xi32, #tpu.memory_space<vmem>>, vector<1x32xi32>,
    %sub3A_263 = arith.constant 1 : i32
    %sub3A_264 = arith.subi %select_n3A_185, %sub3A_263 : i32
    %min3A = vector.broadcast %sub3A_264 : i32 to vector<1x32xi32>
    %min3A_265 = arith.minsi %iota3A_256, %min3A : vector<1x32xi32>
    %swap3A_266 = arith.constant 0 : index
    %swap3A_267 = arith.constant 0 : index
    %swap3A_268 = vector.load %arg6[%swap3A_266, %swap3A_267] : memref<1x32xi32, #tpu.memory_space<vmem>>, vector<1x32xi32>
    tpu.vector_store %arg6[%swap3A_266, %swap3A_267], %min3A_265 {strides = array<i32>} : memref<1x32xi32, #tpu.memory_space<vmem>>, vector<1x32xi32>,
    %iota3A_269 = tpu.iota {dimensions = array<i32: 0>} : vector<64x64xi32>
    %iota3A_270 = tpu.iota {dimensions = array<i32: 1>} : vector<64x64xi32>
    %add3A_271 = arith.constant 0 : i32
    %add3A_272 = vector.broadcast %add3A_271 : i32 to vector<64x64xi32>
    %add3A_273 = arith.addi %iota3A_269, %add3A_272 : vector<64x64xi32>
    %eq3A_274 = arith.cmpi eq, %add3A_273, %iota3A_270 : vector<64x64xi32>
    %convert_element_type3A_275 = arith.extui %eq3A_274 : vector<64x64xi1> to vector<64x64xi32>
    %convert_element_type3A_276 = arith.sitofp %convert_element_type3A_275 : vector<64x64xi32> to vector<64x64xf32>
    %dot_general3A_277 = arith.constant dense<0.000000e+00> : vector<1x64xf32>
    %dot_general3A_278 = tpu.matmul %broadcast_in_dim3A_150, %convert_element_type3A_276, %dot_general3A_277 {dimension_numbers = #tpu.dot_dimension_numbers<[0], [0], [1], [1], [0, 1, 1, 1], [], []>, precision = #tpu.contract_precision<fp32>, transpose_lhs_hint = false} : vector<64x1xf32>, vector<64x64xf32>, vector<1x64xf32> -> vector<1x64xf32>
    %dot_general3A_279 = arith.constant dense<0.000000e+00> : vector<1x64xf32>
    %dot_general3A_280 = tpu.matmul %broadcast_in_dim3A_154, %convert_element_type3A_276, %dot_general3A_279 {dimension_numbers = #tpu.dot_dimension_numbers<[0], [0], [1], [1], [0, 1, 1, 1], [], []>, precision = #tpu.contract_precision<fp32>, transpose_lhs_hint = false} : vector<64x1xf32>, vector<64x64xf32>, vector<1x64xf32> -> vector<1x64xf32>
    %iota3A_281 = tpu.iota {dimensions = array<i32: 0>} : vector<256x64xi32>
    %convert_element_type3A_282 = arith.fptosi %dot_general3A_278 : vector<1x64xf32> to vector<1x64xi32>
    %eq3A_283 = vector.broadcast %convert_element_type3A_282 : vector<1x64xi32> to vector<256x64xi32>
    %eq3A_284 = arith.cmpi eq, %iota3A_281, %eq3A_283 : vector<256x64xi32>
    %convert_element_type3A_285 = arith.extui %eq3A_284 : vector<256x64xi1> to vector<256x64xi32>
    %convert_element_type3A_286 = arith.sitofp %convert_element_type3A_285 : vector<256x64xi32> to vector<256x64xf32>
    %convert_element_type3A_287 = arith.fptosi %dot_general3A_280 : vector<1x64xf32> to vector<1x64xi32>
    %eq3A_288 = vector.broadcast %convert_element_type3A_287 : vector<1x64xi32> to vector<256x64xi32>
    %eq3A_289 = arith.cmpi eq, %iota3A_281, %eq3A_288 : vector<256x64xi32>
    %convert_element_type3A_290 = arith.extui %eq3A_289 : vector<256x64xi1> to vector<256x64xi32>
    %convert_element_type3A_291 = arith.sitofp %convert_element_type3A_290 : vector<256x64xi32> to vector<256x64xf32>
    %dot_general3A_292 = arith.constant dense<0.000000e+00> : vector<256x1xf32>
    %dot_general3A_293 = tpu.matmul %convert_element_type3A_286, %div3A_76, %dot_general3A_292 {dimension_numbers = #tpu.dot_dimension_numbers<[1], [0], [0], [1], [0, 0, 1, 1], [], []>, precision = #tpu.contract_precision<fp32>, transpose_lhs_hint = false} : vector<256x64xf32>, vector<64x1xf32>, vector<256x1xf32> -> vector<256x1xf32>
    %dot_general3A_294 = arith.constant dense<0.000000e+00> : vector<256x1xf32>
    %dot_general3A_295 = tpu.matmul %convert_element_type3A_291, %div3A_77, %dot_general3A_294 {dimension_numbers = #tpu.dot_dimension_numbers<[1], [0], [0], [1], [0, 0, 1, 1], [], []>, precision = #tpu.contract_precision<fp32>, transpose_lhs_hint = false} : vector<256x64xf32>, vector<64x1xf32>, vector<256x1xf32> -> vector<256x1xf32>
    %add3A_296 = arith.addf %dot_general3A_293, %dot_general3A_295 : vector<256x1xf32>
    %broadcast_in_dim3A_297 = vector.shape_cast %add3A_296 : vector<256x1xf32> to vector<256x1xf32>
    %broadcast_in_dim3A_298 = vector.broadcast %broadcast_in_dim3A_297 : vector<256x1xf32> to vector<256x16xf32>
    %swap3A_299 = arith.constant 0 : index
    %swap3A_300 = arith.constant 0 : index
    %swap3A_301 = vector.load %arg7[%swap3A_299, %swap3A_300] : memref<256x16xf32, #tpu.memory_space<vmem>>, vector<256x16xf32>
    tpu.vector_store %arg7[%swap3A_299, %swap3A_300], %broadcast_in_dim3A_298 {strides = array<i32>} : memref<256x16xf32, #tpu.memory_space<vmem>>, vector<256x16xf32>,
    %iota3A_302 = tpu.iota {dimensions = array<i32: 1>} : vector<64x16xi32>
    %mul3A_303 = arith.constant 16 : i32
    %mul3A_304 = vector.broadcast %mul3A_303 : i32 to vector<64x1xi32>
    %mul3A_305 = arith.muli %convert_element_type3A_155, %mul3A_304 : vector<64x1xi32>
    %add3A_306 = vector.broadcast %mul3A_305 : vector<64x1xi32> to vector<64x16xi32>
    %add3A_307 = arith.addi %add3A_306, %iota3A_302 : vector<64x16xi32>
    %swap3A_308 = arith.constant 0 : index
    %swap3A_309 = arith.constant 0 : index
    %swap3A_310 = vector.load %arg8[%swap3A_308, %swap3A_309] : memref<64x16xi32, #tpu.memory_space<vmem>>, vector<64x16xi32>
    tpu.vector_store %arg8[%swap3A_308, %swap3A_309], %add3A_307 {strides = array<i32>} : memref<64x16xi32, #tpu.memory_space<vmem>>, vector<64x16xi32>,
    %mul3A_311 = arith.constant 16 : i32
    %mul3A_312 = vector.broadcast %mul3A_311 : i32 to vector<64x1xi32>
    %mul3A_313 = arith.muli %convert_element_type3A_156, %mul3A_312 : vector<64x1xi32>
    %add3A_314 = vector.broadcast %mul3A_313 : vector<64x1xi32> to vector<64x16xi32>
    %add3A_315 = arith.addi %add3A_314, %iota3A_302 : vector<64x16xi32>
    %swap3A_316 = arith.constant 0 : index
    %swap3A_317 = arith.constant 0 : index
    %swap3A_318 = vector.load %arg9[%swap3A_316, %swap3A_317] : memref<64x16xi32, #tpu.memory_space<vmem>>, vector<64x16xi32>
    tpu.vector_store %arg9[%swap3A_316, %swap3A_317], %add3A_315 {strides = array<i32>} : memref<64x16xi32, #tpu.memory_space<vmem>>, vector<64x16xi32>,
    return
  }
  func.func @transform_0(%arg0: i32) -> (i32, i32) {
    %c0_i32 = arith.constant 0 : i32
    %c0_i32_0 = arith.constant 0 : i32
    %c0_i32_1 = arith.constant 0 : i32
    return %c0_i32, %c0_i32_0 : i32, i32
  }
  func.func @transform_1(%arg0: i32) -> (i32, i32) {
    %c0_i32 = arith.constant 0 : i32
    %c0_i32_0 = arith.constant 0 : i32
    %c0_i32_1 = arith.constant 0 : i32
    return %c0_i32, %c0_i32_0 : i32, i32
  }
  func.func @transform_2(%arg0: i32) -> (i32, i32) {
    %c0_i32 = arith.constant 0 : i32
    %c0_i32_0 = arith.constant 0 : i32
    %c0_i32_1 = arith.constant 0 : i32
    return %c0_i32, %c0_i32_0 : i32, i32
  }
  func.func @transform_3(%arg0: i32) -> (i32, i32) {
    %c0_i32 = arith.constant 0 : i32
    %c0_i32_0 = arith.constant 0 : i32
    %c0_i32_1 = arith.constant 0 : i32
    return %c0_i32, %c0_i32_0 : i32, i32
  }
  func.func @transform_4(%arg0: i32) -> (i32, i32) {
    %c0_i32 = arith.constant 0 : i32
    %c0_i32_0 = arith.constant 0 : i32
    %c0_i32_1 = arith.constant 0 : i32
    return %c0_i32, %c0_i32_0 : i32, i32
  }
  func.func @transform_5(%arg0: i32) -> (i32, i32) {
    %c0_i32 = arith.constant 0 : i32
    %c0_i32_0 = arith.constant 0 : i32
    %c0_i32_1 = arith.constant 0 : i32
    return %c0_i32, %c0_i32_0 : i32, i32
  }
  func.func @transform_6(%arg0: i32) -> (i32, i32) {
    %c0_i32 = arith.constant 0 : i32
    %c0_i32_0 = arith.constant 0 : i32
    %c0_i32_1 = arith.constant 0 : i32
    return %c0_i32, %c0_i32_0 : i32, i32
  }
  func.func @transform_7(%arg0: i32) -> (i32, i32) {
    %c0_i32 = arith.constant 0 : i32
    %c0_i32_0 = arith.constant 0 : i32
    %c0_i32_1 = arith.constant 0 : i32
    return %c0_i32, %c0_i32_0 : i32, i32
  }
  func.func @transform_8(%arg0: i32) -> (i32, i32) {
    %c0_i32 = arith.constant 0 : i32
    %c0_i32_0 = arith.constant 0 : i32
    %c0_i32_1 = arith.constant 0 : i32
    return %c0_i32, %c0_i32_0 : i32, i32
  }
}

</mosaic_0001>

<sc_bundles>
// kernel: kernel.4.cloned.1.call-start
scs
__scs_entry_jumppad:
0x0: {  	(pc) =	sbr.rel $0x88, $3  }
0x1: {  	(tag) =	ssettag $0x0;
	lr =	simm.s32 $0x1  }
0x2: {  	[smem:$0x3F9F] =	sst lr;
	_ =	strace $0xD0000000  }
0x3: {  	_ = 	snop  }
0x4: {  	_ = 	snop  }
0x5: {  	_ = 	snop  }
0x6: {  	_ = 	snop  }
0x7: {  	_ = 	snop  }
__scs_overlays_trampoline_lowered:
0x8: {  	[smem:$0x3FAE] =	sst s0  }
0x9: {  	[smem:$0x3FAF] =	sst s1  }
0xa: {  	[smem:$0x3FB0] =	sst s2  }
0xb: {  	[smem:$0x3FB1] =	sst s3  }
0xc: {  	[smem:$0x3FB2] =	sst s4  }
0xd: {  	[smem:$0x3FB3] =	sst s5  }
0xe: {  	[smem:$0x3FB4] =	sst s6  }
0xf: {  	[smem:$0x3FB5] =	sst s7  }
0x10: {  	[smem:$0x3FB6] =	sst s8  }
0x11: {  	[smem:$0x3FB7] =	sst s9;
	s0 =	simm.s32 @!p0 $0x0  }
0x12: {  	s1 =	sld [smem:$0x3F9D];
	s0 =	simm.s32 @p0 $0x1  }
0x13: {  	[smem:$0x3FB8] =	sst s0;
	s0 =	simm.s32 @!p1 $0x0  }
0x14: {  	s2 =	sld [smem:$0x3F9C];
	s0 =	simm.s32 @p1 $0x1  }
0x15: {  	[smem:$0x3FB9] =	sst s0;
	s0 =	simm.s32 @!p2 $0x0  }
0x16: {  	s3 =	sld [smem:$0x3FDB];
	s0 =	simm.s32 @p2 $0x1  }
0x17: {  	s4 =	simm.s32 $0x1BF5;
	[smem:$0x3FBB] =	sst s0  }
0x18: {  	s0 =	sld [smem:$0x3F9E];
	_ =	swait.ge [sflag:s4], $0x0  }
0x19: {  	s7 =	sld [smem:$0x3F9F]  }
0x1a: {  	s8 =	sadd.s32 $0xFFFFE003, lr  }
0x1b: {  	s9 =	sadd.s32 $0xFFFFFEF7, lr;
	s5 =	simm.s32 $0xFFFFFFFF;
	p2 =	slt.u32 s8, $0xFFFFF086  }
0x1c: {  	p1 =	slt.u32 s9, $0xF7A;
	s5 =	simm.s32 @!p2 $0x0  }
0x1d: {  	s5 =	simm.s32 @p1 $0x1;
	p0 =	seq.s32 s7, s2  }
0x1e: {  	s7 =	smul.u32 @!p0 $0xF7A, s2;
	p2 =	seq.s32 @!p0 s5, $0x0  }
0x1f: {  	s9 =	smul.u32 $0xF7A, s1;
	s8 =	simm.s32 @!p0 $0x1BF5;
	p2 =	por !p2, p0  }
0x20: {  	[sflag:s8] =	ssyncset.s32 @!p0 $0xFFFFF086;
	s6 =	sadd.s32 @!p0 s3, s7;
	s7 =	simm.s32 @!p0 $0x108  }
0x21: {  	s3 =	sadd.s32 s3, s9;
	s6 =	sadd.s32 @!p0 $0x88, s6;
	s7 =	simm.s32 @p2 $0x1082  }
0x22: {  	[simem:s7], [sflag:s8] =	dma.local @!p0 [hbm:s6], $0xF7A  }
0x23: {  	s9 =	sor.u32 $0xD0000000, s2;
	s6 =	simm.s32 $0x108;
	_ =	swait.ge @!p0 [sflag:s8], $0x0  }
0x24: {  	s3 =	sadd.s32 $0x88, s3;
	s6 =	simm.s32 @!p1 $0x1082;
	[sflag:s4] =	ssyncset.s32 $0xFFFFF086  }
0x25: {  	[simem:s6], [sflag:s4] =	dma.local [hbm:s3], $0xF7A  }
0x26: {  	[smem:$0x3F9F] =	sst s1;
	(tag) =	ssettag s2;
	_ =	strace s9  }
0x27: {  	s1 =	sld [smem:$0x3FAF]  }
0x28: {  	s2 =	sld [smem:$0x3FB0]  }
0x29: {  	s4 =	sld [smem:$0x3FB2]  }
0x2a: {  	p0 =	seq.s32 s5, $0x0;
	s5 =	sld [smem:$0x3FB3]  }
0x2b: {  	s6 =	sld [smem:$0x3FB4]  }
0x2c: {  	s7 =	sld [smem:$0x3FB5]  }
0x2d: {  	s3 =	simm.s32 $0x108;
	s8 =	sld [smem:$0x3FB6]  }
0x2e: {  	s3 =	simm.s32 @!p0 $0x1082;
	s9 =	sld [smem:$0x3FB7]  }
0x2f: {  	lr =	sadd.s32 s0, s3;
	s0 =	sld [smem:$0x3FAE]  }
0x30: {  	s3 =	sld [smem:$0x3FB1]  }
0x31: {  	[smem:$0x3FBA] =	sst s10  }
0x32: {  	s10 =	sld [smem:$0x3FB8];
	_ =	sdelay $0x3  }
0x33: {  	p0 =	seq.s32 s10, $0x1;
	s10 =	sld [smem:$0x3FBA];
	_ =	sdelay $0x3  }
0x34: {  	[smem:$0x3FBA] =	sst s10  }
0x35: {  	s10 =	sld [smem:$0x3FB9];
	_ =	sdelay $0x3  }
0x36: {  	p1 =	seq.s32 s10, $0x1;
	s10 =	sld [smem:$0x3FBA];
	_ =	sdelay $0x3  }
0x37: {  	[smem:$0x3FBA] =	sst s10  }
0x38: {  	s10 =	sld [smem:$0x3FBB]  }
0x39: {  	_ = 	snop;
	(pc) =	sbr.ind lr, $3  }
0x3a: {  	_ = 	snop  }
0x3b: {  	_ = 	snop  }
0x3c: {  	p2 =	seq.s32 s10, $0x1;
	s10 =	sld [smem:$0x3FBA]  }
0x3d: {  	_ =	shalt  }
0x3e: {  	_ =	shalt  }
0x3f: {  	_ =	shalt  }
0x40: {  	_ =	shalt  }
0x41: {  	_ =	shalt  }
0x42: {  	_ =	shalt  }
0x43: {  	_ =	shalt  }
0x44: {  	_ =	shalt  }
0x45: {  	_ =	shalt  }
0x46: {  	_ =	shalt  }
0x47: {  	_ =	shalt  }
0x48: {  	_ =	shalt  }
0x49: {  	_ =	shalt  }
0x4a: {  	_ =	shalt  }
0x4b: {  	_ =	shalt  }
0x4c: {  	_ =	shalt  }
0x4d: {  	_ =	shalt  }
0x4e: {  	_ =	shalt  }
0x4f: {  	_ =	shalt  }
0x50: {  	_ =	shalt  }
0x51: {  	_ =	shalt  }
0x52: {  	_ =	shalt  }
0x53: {  	_ =	shalt  }
0x54: {  	_ =	shalt  }
0x55: {  	_ =	shalt  }
0x56: {  	_ =	shalt  }
0x57: {  	_ =	shalt  }
0x58: {  	_ =	shalt  }
0x59: {  	_ =	shalt  }
0x5a: {  	_ =	shalt  }
0x5b: {  	_ =	shalt  }
0x5c: {  	_ =	shalt  }
0x5d: {  	_ =	shalt  }
0x5e: {  	_ =	shalt  }
0x5f: {  	_ =	shalt  }
0x60: {  	_ =	shalt  }
0x61: {  	_ =	shalt  }
0x62: {  	_ =	shalt  }
0x63: {  	_ =	shalt  }
0x64: {  	_ =	shalt  }
0x65: {  	_ =	shalt  }
0x66: {  	_ =	shalt  }
0x67: {  	_ =	shalt  }
0x68: {  	_ =	shalt  }
0x69: {  	_ =	shalt  }
0x6a: {  	_ =	shalt  }
0x6b: {  	_ =	shalt  }
0x6c: {  	_ =	shalt  }
0x6d: {  	_ =	shalt  }
0x6e: {  	_ =	shalt  }
0x6f: {  	_ =	shalt  }
0x70: {  	_ =	shalt  }
0x71: {  	_ =	shalt  }
0x72: {  	_ =	shalt  }
0x73: {  	_ =	shalt  }
0x74: {  	_ =	shalt  }
0x75: {  	_ =	shalt  }
0x76: {  	_ =	shalt  }
0x77: {  	_ =	shalt  }
0x78: {  	_ =	shalt  }
0x79: {  	_ =	shalt  }
0x7a: {  	_ =	shalt  }
0x7b: {  	_ =	shalt  }
0x7c: {  	_ =	shalt  }
0x7d: {  	_ =	shalt  }
0x7e: {  	_ =	shalt  }
0x7f: {  	_ =	shalt  }
0x80: {  	_ =	shalt  }
0x81: {  	_ =	shalt  }
0x82: {  	_ =	shalt  }
0x83: {  	_ =	shalt  }
0x84: {  	_ =	shalt  }
0x85: {  	_ =	shalt  }
0x86: {  	_ =	shalt  }
0x87: {  	_ =	shalt  }
.Lfunc_end0:
.L_simem_size_0:
called_computation_lowered:
.L_overlay_start_0:
0x88: {  	s2 =	sld [smem:$0x3FD9]  }
0x89: {  	s3 =	sld [smem:$0x3FFE];
	_ =	sdelay $0x1  }
0x8a: {  	s1 =	srdreg.scid  }
0x8b: {  	s0 =	sand.u32 $0x1, s1  }
0x8c: {  	s17 =	sshll.u32 s0, $0xA;
	s2 =	sadd.s32 s3, s2  }
0x8d: {  	s2 =	sadd.s32 s2, s17  }
0x8e: {  	[smem:$0x3FC6] =	sst s2  }
0x8f: {  	_ = 	snop  }
0x90: {  	s2 =	sld [smem:$0x3FD0];
	(tm) =	ssettm $0x1  }
0x91: {  	s18 =	sld [smem:$0x3FFB];
	_ =	sdelay $0x3  }
0x92: {  	_ =	strace s18  }
0x93: {  	s3 =	sld [smem:$0x3FFC];
	_ =	sdelay $0x3  }
0x94: {  	_ =	strace s3  }
0x95: {  	s3 =	sld [smem:$0x3FFD];
	_ =	sdelay $0x3  }
0x96: {  	_ =	strace s3  }
0x97: {  	_ =	strace $0x8FFFFFFF  }
0x98: {  	s19 =	sld [smem:$0x3FDB];
	_ =	sdelay $0x1  }
0x99: {  	s4 =	simm.s32 $_scs_section_size  }
0x9a: {  	s5 =	simm.s32 $_size__tile_overlayer_lowered;
	s6 =	simm.s32 $_tile_overlayer_lowered  }
0x9b: {  	s22 =	simm.s32 $0x1BFF;
	s21 =	sshll.u32 s6, $0x1;
	s3 =	sadd.s32 s4, s19  }
0x9c: {  	s7 =	simm.s32 $0x0;
	s20 =	sshll.u32 s5, $0x1;
	s5 =	sadd.s32 s21, s3  }
0x9d: {  	[timem:s7], [sflag:s22] =	dma.local [hbm:s5], s20  }
0x9e: {  	_ =	swait.ge [sflag:s22], s20  }
0x9f: {  	s4 =	ssub.s32 $0x0, s20;
	[sflag:s22] =	ssyncset.done $0x0  }
0xa0: {  	[sflag:s22] =	ssyncadd.s32 s4;
	_ =	sdelay $0x1  }
0xa1: {  	s23 =	simm.s32 $0x1B8B  }
0xa2: {  	_ =	swait.ge [sflag:s23], $0x1  }
0xa3: {  	[sflag:s23] =	ssyncset.done $0x0  }
0xa4: {  	s25 =	simm.s32 $0x1B8E;
	s24 =	sld [smem:$0x3FFE];
	[sflag:s23] =	ssyncadd.s32 $0xFFFFFFFF  }
0xa5: {  	s26 =	simm.s32 $execute0_lowered;
	[smem:$0x3FD2] =	sst s25  }
0xa6: {  	s5 =	sshll.u32 s26, $0x1;
	_ =	strace $0x80000046;
	[dreg:$0x1] =	wrdreg $0xFFFFFFFF  }
0xa7: {  	s28 =	simm.s32 $_size_execute0_lowered;
	s3 =	sadd.s32 s3, s5;
	[dreg:$0x0] =	wrdreg $0x0  }
0xa8: {  	s5 =	sshll.u32 s28, $0x1;
	[dreg:$0x2] =	wrdreg s3  }
0xa9: {  	[dreg:$0x3] =	wrdreg s5  }
0xaa: {  	[dreg:$0x4] =	wrdreg $0xC0  }
0xab: {  	_ =	task [dreg:s7], $0x5FFFF  }
0xac: {  	[dreg:$0x1] =	wrdreg $0xFFFFFFFF  }
0xad: {  	[dreg:$0x0] =	wrdreg $0x60  }
0xae: {  	[dreg:$0x2] =	wrdreg s24  }
0xaf: {  	[dreg:$0x3] =	wrdreg s2  }
0xb0: {  	[dreg:$0x4] =	wrdreg $0x9  }
0xb1: {  	_ =	task.clear_ibuf [dreg:s7], $0x5FFFF;
	_ =	strace $0x90000046  }
0xb2: {  	s29 =	simm.s32 $0x9;
	_ =	strace $0x80000048  }
0xb3: {  	_ =	swait.ge [sflag:s29], $0x1  }
0xb4: {  	[sflag:s29] =	ssyncadd.s32 $0xFFFFFFFF  }
0xb5: {  	_ =	strace $0x90000048  }
0xb6: {  	_ =	sfence  }
0xb7: {  	s30 =	sld [smem:$0x0];
	_ =	sdelay $0x2  }
0xb8: {  	s31 =	sshll.u32 s1, $0xD;
	s1 =	sshrl.u32 s1, $0x2  }
0xb9: {  	s3 =	sand.u32 $0x4000, s31;
	s1 =	sadd.s32 s1, s30  }
0xba: {  	s0 =	sor.u32 s3, s0;
	s1 =	sshll.u32 s1, $0x11  }
0xbb: {  	s0 =	sor.u32 s1, s0  }
0xbc: {  	s0 =	sadd.s32 $0x8F2B, s0  }
0xbd: {  	[sflag:s0] =	ssyncadd.remote.s32 $0x1  }
0xbe: {  	_ =	sfence.sel $0xFFFF  }
0xbf: {  	[dreg:$0x0] =	wrdreg $0xFFFFFFFF;
	(pc) =	sbr.abs _section_cstart, $3  }
0xc0: {  	[dreg:$0x1] =	wrdreg $0xFFFFFFFF  }
0xc1: {  	_ =	task.clear_ibuf [dreg:s7], $0x2FFFF;
	_ =	strace $0x9FFFFFFF  }
0xc2: {  	(tm) =	ssettm $0x7FFFFFFF  }
0xc3: {  	_ =	shalt  }
tec
execute0_lowered:
.L_overlay_start_1:
0x0: {  	(tag) =	ssettag $0x1  }
0x1: {  	s0 =	rddreg [dreg:$0x0];
	s2 =	stileid.u32  }
0x2: {  	s22 =	rddreg [dreg:$0x1];
	s28 =	sshll.u32 s2, $0x1;
	s2 =	simm.s32 $0x0  }
0x3: {  	s29 =	sadd.s32 $0x100, s22;
	[smem:$0x7FF] =	sst s2  }
0x4: {  	s30 =	sadd.s32 $0x200, s22;
	_ =	strace $0x80000047;
	[dreg:$0x4] =	wrdreg s29  }
0x5: {  	s4 =	sadd.s32 $0x300, s22;
	[dreg:$0x5] =	wrdreg s30  }
0x6: {  	s5 =	sadd.s32 $0x400, s22;
	[dreg:$0x6] =	wrdreg s4  }
0x7: {  	s6 =	sadd.s32 $0x500, s22;
	[dreg:$0x7] =	wrdreg s5  }
0x8: {  	s7 =	sadd.s32 $0x600, s22;
	[dreg:$0x8] =	wrdreg s6  }
0x9: {  	s8 =	sadd.s32 $0x700, s22;
	[dreg:$0x9] =	wrdreg s7  }
0xa: {  	s9 =	sadd.s32 $0x800, s22;
	[dreg:$0xa] =	wrdreg s8  }
0xb: {  	s10 =	sadd.s32 $0x900, s22;
	[dreg:$0xb] =	wrdreg s9  }
0xc: {  	s11 =	sadd.s32 $0xA00, s22;
	[dreg:$0xc] =	wrdreg s10  }
0xd: {  	s12 =	sadd.s32 $0xB00, s22;
	[dreg:$0xd] =	wrdreg s11  }
0xe: {  	s13 =	sadd.s32 $0xC00, s22;
	[dreg:$0xe] =	wrdreg s12  }
0xf: {  	s14 =	sadd.s32 $0xD00, s22;
	[dreg:$0xf] =	wrdreg s13  }
0x10: {  	s15 =	sadd.s32 $0xE00, s22;
	[dreg:$0x10] =	wrdreg s14  }
0x11: {  	s16 =	sadd.s32 $0xF00, s22;
	[dreg:$0x11] =	wrdreg s15  }
0x12: {  	s17 =	sadd.s32 $0x1000, s22;
	[dreg:$0x12] =	wrdreg s16  }
0x13: {  	s18 =	sadd.s32 $0x1100, s22;
	[dreg:$0x13] =	wrdreg s17  }
0x14: {  	s19 =	sadd.s32 $0x1200, s22;
	[dreg:$0x14] =	wrdreg s18  }
0x15: {  	s21 =	sadd.s32 $0x1300, s22;
	[dreg:$0x15] =	wrdreg s19  }
0x16: {  	s23 =	sadd.s32 $0x1400, s22;
	[dreg:$0x16] =	wrdreg s21  }
0x17: {  	s24 =	sadd.s32 $0x1500, s22;
	[dreg:$0x17] =	wrdreg s23  }
0x18: {  	s1 =	srdreg.scid;
	s25 =	sadd.s32 $0x1600, s22;
	[dreg:$0x18] =	wrdreg s24  }
0x19: {  	s20 =	sand.u32 $0x1, s1;
	s26 =	sadd.s32 $0x1700, s22;
	[dreg:$0x19] =	wrdreg s25  }
0x1a: {  	s1 =	sor.u32 s20, s28;
	s28 =	sadd.s32 $0x1800, s22;
	[dreg:$0x1a] =	wrdreg s26  }
0x1b: {  	[dreg:$0x1b] =	wrdreg s28;
	s29 =	sadd.s32 $0x1900, s22  }
0x1c: {  	s30 =	sadd.s32 $0x1A00, s22;
	[dreg:$0x1c] =	wrdreg s29  }
0x1d: {  	s4 =	sadd.s32 $0x1B00, s22;
	[dreg:$0x1d] =	wrdreg s30  }
0x1e: {  	s5 =	sadd.s32 $0x1C00, s22;
	[dreg:$0x1e] =	wrdreg s4  }
0x1f: {  	s6 =	sadd.s32 $0x1D00, s22;
	[dreg:$0x1f] =	wrdreg s5  }
0x20: {  	s7 =	sadd.s32 $0x1E00, s22;
	[smem:$0x7EB] =	sst s6  }
0x21: {  	s8 =	sadd.s32 $0x1F00, s22;
	[smem:$0x7EC] =	sst s7  }
0x22: {  	s9 =	sadd.s32 $0x2000, s22;
	[smem:$0x7ED] =	sst s8  }
0x23: {  	s10 =	sadd.s32 $0x2100, s22;
	[smem:$0x7EE] =	sst s9  }
0x24: {  	s11 =	sadd.s32 $0x2200, s22;
	[smem:$0x7EF] =	sst s10  }
0x25: {  	s12 =	sadd.s32 $0x2300, s22;
	[smem:$0x7F0] =	sst s11  }
0x26: {  	s13 =	sadd.s32 $0x2400, s22;
	[smem:$0x7F1] =	sst s12  }
0x27: {  	s14 =	sadd.s32 $0x2500, s22;
	[smem:$0x7F2] =	sst s13  }
0x28: {  	s15 =	sadd.s32 $0x2600, s22;
	[smem:$0x7F3] =	sst s14  }
0x29: {  	s16 =	sadd.s32 $0x2700, s22;
	[smem:$0x7F4] =	sst s15  }
0x2a: {  	s17 =	sadd.s32 $0x2800, s22;
	[smem:$0x7F5] =	sst s16  }
0x2b: {  	s18 =	sadd.s32 $0x2900, s22;
	[smem:$0x7F6] =	sst s17  }
0x2c: {  	s19 =	sadd.s32 $0x2A00, s22;
	[smem:$0x7F7] =	sst s18  }
0x2d: {  	s21 =	sadd.s32 $0x2B00, s22;
	[smem:$0x7F8] =	sst s19  }
0x2e: {  	s23 =	sadd.s32 $0x2C00, s22;
	[smem:$0x7F9] =	sst s21  }
0x2f: {  	s24 =	sadd.s32 $0x2D00, s22;
	[smem:$0x7FA] =	sst s23  }
0x30: {  	s25 =	sadd.s32 $0x2E00, s22;
	[smem:$0x7FB] =	sst s24  }
0x31: {  	s26 =	sadd.s32 $0x2F00, s22;
	[smem:$0x7FC] =	sst s25  }
0x32: {  	s3 =	sadd.s32 s1, s0;
	s28 =	simm.s32 $0x880;
	[smem:$0x7FD] =	sst s26  }
0x33: {  	s3 =	sadd.s32 $0x1000, s3;
	[smem:$0x7D9] =	sst s28  }
0x34: {  	s29 =	simm.s32 $0x1080;
	[dreg:$0x3] =	wrdreg s3  }
0x35: {  	s30 =	simm.s32 $0x1880;
	[smem:$0x7DA] =	sst s29  }
0x36: {  	s4 =	simm.s32 $0x3080;
	[smem:$0x7DB] =	sst s30  }
0x37: {  	s5 =	simm.s32 $0x3880;
	[smem:$0x7DE] =	sst s4  }
0x38: {  	s6 =	simm.s32 $0x4080;
	[smem:$0x7DF] =	sst s5  }
0x39: {  	s7 =	simm.s32 $0x4880;
	[smem:$0x7E0] =	sst s6  }
0x3a: {  	s8 =	simm.s32 $0x5080;
	[smem:$0x7E1] =	sst s7  }
0x3b: {  	s9 =	simm.s32 $0x5880;
	[smem:$0x7E2] =	sst s8  }
0x3c: {  	s10 =	simm.s32 $0x6080;
	[smem:$0x7E3] =	sst s9  }
0x3d: {  	s11 =	simm.s32 $0x6880;
	[smem:$0x7E4] =	sst s10  }
0x3e: {  	s12 =	simm.s32 $0x7080;
	[smem:$0x7E5] =	sst s11  }
0x3f: {  	s13 =	simm.s32 $0x7880;
	[smem:$0x7E6] =	sst s12  }
0x40: {  	s14 =	simm.s32 $0x8080;
	[smem:$0x7E7] =	sst s13  }
0x41: {  	s15 =	simm.s32 $0x8880;
	[smem:$0x7E8] =	sst s14  }
0x42: {  	s16 =	simm.s32 $0x9080;
	[smem:$0x7E9] =	sst s15  }
0x43: {  	s17 =	simm.s32 $0x9880;
	[smem:$0x7EA] =	sst s16  }
0x44: {  	s18 =	simm.s32 $0xA080;
	[smem:$0x7D8] =	sst s17  }
0x45: {  	s19 =	simm.s32 $0xA880;
	[smem:$0x7D7] =	sst s18  }
0x46: {  	s1 =	smul.u32 $0x3000, s1;
	s21 =	simm.s32 $0xB080;
	[smem:$0x7D6] =	sst s19  }
0x47: {  	s24 =	simm.s32 $0xB880;
	[smem:$0x7D5] =	sst s21  }
0x48: {  	s0 =	sadd.s32 s1, s0;
	s1 =	simm.s32 $0x2080;
	[smem:$0x7D4] =	sst s24  }
0x49: {  	s3 =	simm.s32 $0x2880;
	[smem:$0x7DC] =	sst s1  }
0x4a: {  	[smem:$0x7DD] =	sst s3  }
0x4b: {  	s0 =	sadd.s32 $0x1200, s0;
	s23 =	rddreg [dreg:$0x3]  }
0x4c: {  	s4 =	simm.s32 $0x2;
	[smem:$0x7D3] =	sst s0  }
0x4d: {  	[tilespmem:s2], [sflag:$0x2] =	stream.linear.gather [hbm4b:s23+s2], $0x8, $0x38;
	[tilespmem:$0x18080] =	vst v63  }
0x4e: {  	_ =	swait.ge [sflag:s4], $0x8  }
0x4f: {  	s0 =	sld [smem:$0x7D4]  }
0x50: {  	s1 =	sld [smem:$0x7D5]  }
0x51: {  	s3 =	sld [smem:$0x7D6]  }
0x52: {  	s6 =	sld [smem:$0x7D7]  }
0x53: {  	s7 =	sld [smem:$0x7D8]  }
0x54: {  	s8 =	rddreg [dreg:$0x5]  }
0x55: {  	[sflag:s4] =	ssyncset.done $0x0;
	s9 =	rddreg [dreg:$0x4]  }
0x56: {  	s10 =	sld [smem:$0x7D9];
	[sflag:s4] =	ssyncadd.s32 $0xFFFFFFF8  }
0x57: {  	s11 =	sld [smem:$0x7DA];
	v0 =	vld.msk [tilespmem:$0x0], $0xff  }
0x58: {  	s12 =	sld [smem:$0x7DB]  }
0x59: {  	s13 =	sld [smem:$0x7DC]  }
0x5a: {  	s14 =	sld [smem:$0x7DD]  }
0x5b: {  	s15 =	sld [smem:$0x7DE]  }
0x5c: {  	s16 =	sld [smem:$0x7DF];
	v1 =	vshrl.u32 v0, $0x3  }
0x5d: {  	s17 =	sld [smem:$0x7E0];
	v1 =	vmul.u32 $0x300, v1  }
0x5e: {  	v2 =	vlaneseq.u32;
	s18 =	sld [smem:$0x7E1];
	v3 =	vand.u32 $0x7, v0  }
0x5f: {  	s19 =	sld [smem:$0x7E2];
	v0 =	vand.u32 $0x7, v2;
	v2 =	vshrl.u32 v2, $0x3;
	v3 =	vor.u32 v3, v1  }
0x60: {  	s21 =	sld [smem:$0x7E3];
	v1 =	vmul.u32 $0x8, v2;
	v2 =	vperm.xlane v3, v0  }
0x61: {  	s25 =	rddreg [dreg:$0x6]  }
0x62: {  	s26 =	rddreg [dreg:$0x7];
	v2 =	vadd.s32 v1, v2  }
0x63: {  	s28 =	rddreg [dreg:$0x8]  }
0x64: {  	s29 =	rddreg [dreg:$0x9]  }
0x65: {  	s30 =	rddreg [dreg:$0xa]  }
0x66: {  	vm0 =	vmmov $0xffff;
	s5 =	simm.s32 $0x80;
	s23 =	sld [smem:$0x7EA]  }
0x67: {  	[tilespmem:s5], [sflag:$0x1] =	stream.indirect_vreg.gather [hbm4b:s22+s2], $0x80, v2, vm0, $0xb8;
	[tilespmem:$0x18080] =	vst v63  }
0x68: {  	s24 =	rddreg [dreg:$0xb]  }
0x69: {  	[tilespmem:s10], [sflag:$0x1] =	stream.indirect_vreg.gather [hbm4b:s9+s2], $0x80, v2, vm0, $0xb8;
	[tilespmem:$0x18080] =	vst v63  }
0x6a: {  	s22 =	sld [smem:$0x7E4]  }
0x6b: {  	[tilespmem:s11], [sflag:$0x1] =	stream.indirect_vreg.gather [hbm4b:s8+s2], $0x80, v2, vm0, $0xb8;
	[tilespmem:$0x18080] =	vst v63  }
0x6c: {  	s9 =	sld [smem:$0x7E5]  }
0x6d: {  	[tilespmem:s12], [sflag:$0x1] =	stream.indirect_vreg.gather [hbm4b:s25+s2], $0x80, v2, vm0, $0xb8;
	[tilespmem:$0x18080] =	vst v63  }
0x6e: {  	s10 =	sld [smem:$0x7E7]  }
0x6f: {  	[tilespmem:s13], [sflag:$0x1] =	stream.indirect_vreg.gather [hbm4b:s26+s2], $0x80, v2, vm0, $0xb8;
	[tilespmem:$0x18080] =	vst v63  }
0x70: {  	s8 =	sld [smem:$0x7E6]  }
0x71: {  	[tilespmem:s14], [sflag:$0x1] =	stream.indirect_vreg.gather [hbm4b:s28+s2], $0x80, v2, vm0, $0xb8;
	[tilespmem:$0x18080] =	vst v63  }
0x72: {  	s11 =	sld [smem:$0x7E8]  }
0x73: {  	[tilespmem:s15], [sflag:$0x1] =	stream.indirect_vreg.gather [hbm4b:s29+s2], $0x80, v2, vm0, $0xb8;
	[tilespmem:$0x18080] =	vst v63  }
0x74: {  	s12 =	sld [smem:$0x7E9]  }
0x75: {  	[tilespmem:s16], [sflag:$0x1] =	stream.indirect_vreg.gather [hbm4b:s30+s2], $0x80, v2, vm0, $0xb8;
	[tilespmem:$0x18080] =	vst v63  }
0x76: {  	s25 =	rddreg [dreg:$0xc]  }
0x77: {  	[tilespmem:s17], [sflag:$0x1] =	stream.indirect_vreg.gather [hbm4b:s24+s2], $0x80, v2, vm0, $0xb8;
	[tilespmem:$0x18080] =	vst v63  }
0x78: {  	s26 =	rddreg [dreg:$0xd]  }
0x79: {  	[tilespmem:s18], [sflag:$0x1] =	stream.indirect_vreg.gather [hbm4b:s25+s2], $0x80, v2, vm0, $0xb8;
	[tilespmem:$0x18080] =	vst v63  }
0x7a: {  	s28 =	rddreg [dreg:$0xe]  }
0x7b: {  	[tilespmem:s19], [sflag:$0x1] =	stream.indirect_vreg.gather [hbm4b:s26+s2], $0x80, v2, vm0, $0xb8;
	[tilespmem:$0x18080] =	vst v63  }
0x7c: {  	s29 =	rddreg [dreg:$0xf]  }
0x7d: {  	[tilespmem:s21], [sflag:$0x1] =	stream.indirect_vreg.gather [hbm4b:s28+s2], $0x80, v2, vm0, $0xb8;
	[tilespmem:$0x18080] =	vst v63  }
0x7e: {  	s30 =	rddreg [dreg:$0x10]  }
0x7f: {  	[tilespmem:s22], [sflag:$0x1] =	stream.indirect_vreg.gather [hbm4b:s29+s2], $0x80, v2, vm0, $0xb8;
	[tilespmem:$0x18080] =	vst v63  }
0x80: {  	s16 =	rddreg [dreg:$0x11]  }
0x81: {  	[tilespmem:s9], [sflag:$0x1] =	stream.indirect_vreg.gather [hbm4b:s30+s2], $0x80, v2, vm0, $0xb8;
	[tilespmem:$0x18080] =	vst v63  }
0x82: {  	s17 =	rddreg [dreg:$0x12]  }
0x83: {  	[tilespmem:s8], [sflag:$0x1] =	stream.indirect_vreg.gather [hbm4b:s16+s2], $0x80, v2, vm0, $0xb8;
	[tilespmem:$0x18080] =	vst v63  }
0x84: {  	s24 =	rddreg [dreg:$0x18]  }
0x85: {  	[tilespmem:s10], [sflag:$0x1] =	stream.indirect_vreg.gather [hbm4b:s17+s2], $0x80, v2, vm0, $0xb8;
	[tilespmem:$0x18080] =	vst v63  }
0x86: {  	s18 =	rddreg [dreg:$0x13]  }
0x87: {  	[tilespmem:s11], [sflag:$0x1] =	stream.indirect_vreg.gather [hbm4b:s18+s2], $0x80, v2, vm0, $0xb8;
	[tilespmem:$0x18080] =	vst v63  }
0x88: {  	s19 =	rddreg [dreg:$0x14]  }
0x89: {  	[tilespmem:s12], [sflag:$0x1] =	stream.indirect_vreg.gather [hbm4b:s19+s2], $0x80, v2, vm0, $0xb8;
	[tilespmem:$0x18080] =	vst v63  }
0x8a: {  	s21 =	rddreg [dreg:$0x15]  }
0x8b: {  	[tilespmem:s23], [sflag:$0x1] =	stream.indirect_vreg.gather [hbm4b:s21+s2], $0x80, v2, vm0, $0xb8;
	[tilespmem:$0x18080] =	vst v63  }
0x8c: {  	s22 =	rddreg [dreg:$0x16]  }
0x8d: {  	[tilespmem:s7], [sflag:$0x1] =	stream.indirect_vreg.gather [hbm4b:s22+s2], $0x80, v2, vm0, $0xb8;
	[tilespmem:$0x18080] =	vst v63  }
0x8e: {  	s23 =	rddreg [dreg:$0x17]  }
0x8f: {  	[tilespmem:s6], [sflag:$0x1] =	stream.indirect_vreg.gather [hbm4b:s23+s2], $0x80, v2, vm0, $0xb8;
	[tilespmem:$0x18080] =	vst v63  }
0x90: {  	s25 =	rddreg [dreg:$0x19]  }
0x91: {  	[tilespmem:s3], [sflag:$0x1] =	stream.indirect_vreg.gather [hbm4b:s24+s2], $0x80, v2, vm0, $0xb8;
	[tilespmem:$0x18080] =	vst v63  }
0x92: {  	s26 =	rddreg [dreg:$0x1a]  }
0x93: {  	[tilespmem:s1], [sflag:$0x1] =	stream.indirect_vreg.gather [hbm4b:s25+s2], $0x80, v2, vm0, $0xb8;
	[tilespmem:$0x18080] =	vst v63  }
0x94: {  	s28 =	rddreg [dreg:$0x1b]  }
0x95: {  	[tilespmem:s0], [sflag:$0x1] =	stream.indirect_vreg.gather [hbm4b:s26+s2], $0x80, v2, vm0, $0xb8;
	[tilespmem:$0x18080] =	vst v63  }
0x96: {  	s29 =	simm.s32 $0xC080;
	s30 =	rddreg [dreg:$0x1c]  }
0x97: {  	[tilespmem:s29], [sflag:$0x1] =	stream.indirect_vreg.gather [hbm4b:s28+s2], $0x80, v2, vm0, $0xb8;
	[tilespmem:$0x18080] =	vst v63  }
0x98: {  	s8 =	rddreg [dreg:$0x1e];
	s1 =	simm.s32 $0xC880  }
0x99: {  	[tilespmem:s1], [sflag:$0x1] =	stream.indirect_vreg.gather [hbm4b:s30+s2], $0x80, v2, vm0, $0xb8;
	[tilespmem:$0x18080] =	vst v63  }
0x9a: {  	s7 =	simm.s32 $0xD080;
	s6 =	rddreg [dreg:$0x1d]  }
0x9b: {  	[tilespmem:s7], [sflag:$0x1] =	stream.indirect_vreg.gather [hbm4b:s6+s2], $0x80, v2, vm0, $0xb8;
	[tilespmem:$0x18080] =	vst v63  }
0x9c: {  	s9 =	simm.s32 $0xD880;
	s10 =	rddreg [dreg:$0x1f]  }
0x9d: {  	[tilespmem:s9], [sflag:$0x1] =	stream.indirect_vreg.gather [hbm4b:s8+s2], $0x80, v2, vm0, $0xb8;
	[tilespmem:$0x18080] =	vst v63  }
0x9e: {  	s11 =	simm.s32 $0xE080;
	s12 =	sld [smem:$0x7EB]  }
0x9f: {  	[tilespmem:s11], [sflag:$0x1] =	stream.indirect_vreg.gather [hbm4b:s10+s2], $0x80, v2, vm0, $0xb8;
	[tilespmem:$0x18080] =	vst v63  }
0xa0: {  	s13 =	simm.s32 $0xE880;
	s14 =	sld [smem:$0x7EC]  }
0xa1: {  	[tilespmem:s13], [sflag:$0x1] =	stream.indirect_vreg.gather [hbm4b:s12+s2], $0x80, v2, vm0, $0xb8;
	[tilespmem:$0x18080] =	vst v63  }
0xa2: {  	s15 =	simm.s32 $0xF080;
	s16 =	sld [smem:$0x7ED]  }
0xa3: {  	[tilespmem:s15], [sflag:$0x1] =	stream.indirect_vreg.gather [hbm4b:s14+s2], $0x80, v2, vm0, $0xb8;
	[tilespmem:$0x18080] =	vst v63  }
0xa4: {  	s17 =	simm.s32 $0xF880;
	s18 =	sld [smem:$0x7EE]  }
0xa5: {  	[tilespmem:s17], [sflag:$0x1] =	stream.indirect_vreg.gather [hbm4b:s16+s2], $0x80, v2, vm0, $0xb8;
	[tilespmem:$0x18080] =	vst v63  }
0xa6: {  	s19 =	simm.s32 $0x10080;
	s21 =	sld [smem:$0x7EF]  }
0xa7: {  	[tilespmem:s19], [sflag:$0x1] =	stream.indirect_vreg.gather [hbm4b:s18+s2], $0x80, v2, vm0, $0xb8;
	[tilespmem:$0x18080] =	vst v63  }
0xa8: {  	s22 =	simm.s32 $0x10880;
	s23 =	sld [smem:$0x7F0]  }
0xa9: {  	[tilespmem:s22], [sflag:$0x1] =	stream.indirect_vreg.gather [hbm4b:s21+s2], $0x80, v2, vm0, $0xb8;
	[tilespmem:$0x18080] =	vst v63  }
0xaa: {  	s24 =	simm.s32 $0x11080;
	s25 =	sld [smem:$0x7F1]  }
0xab: {  	[tilespmem:s24], [sflag:$0x1] =	stream.indirect_vreg.gather [hbm4b:s23+s2], $0x80, v2, vm0, $0xb8;
	[tilespmem:$0x18080] =	vst v63  }
0xac: {  	s26 =	simm.s32 $0x11880;
	s28 =	sld [smem:$0x7F2]  }
0xad: {  	[tilespmem:s26], [sflag:$0x1] =	stream.indirect_vreg.gather [hbm4b:s25+s2], $0x80, v2, vm0, $0xb8;
	[tilespmem:$0x18080] =	vst v63  }
0xae: {  	s29 =	simm.s32 $0x12080;
	s30 =	sld [smem:$0x7F3]  }
0xaf: {  	[tilespmem:s29], [sflag:$0x1] =	stream.indirect_vreg.gather [hbm4b:s28+s2], $0x80, v2, vm0, $0xb8;
	[tilespmem:$0x18080] =	vst v63  }
0xb0: {  	s6 =	simm.s32 $0x12880;
	s7 =	sld [smem:$0x7F4]  }
0xb1: {  	[tilespmem:s6], [sflag:$0x1] =	stream.indirect_vreg.gather [hbm4b:s30+s2], $0x80, v2, vm0, $0xb8;
	[tilespmem:$0x18080] =	vst v63  }
0xb2: {  	s8 =	simm.s32 $0x13080;
	s9 =	sld [smem:$0x7F5]  }
0xb3: {  	[tilespmem:s8], [sflag:$0x1] =	stream.indirect_vreg.gather [hbm4b:s7+s2], $0x80, v2, vm0, $0xb8;
	[tilespmem:$0x18080] =	vst v63  }
0xb4: {  	s10 =	simm.s32 $0x13880;
	s11 =	sld [smem:$0x7F6]  }
0xb5: {  	[tilespmem:s10], [sflag:$0x1] =	stream.indirect_vreg.gather [hbm4b:s9+s2], $0x80, v2, vm0, $0xb8;
	[tilespmem:$0x18080] =	vst v63  }
0xb6: {  	s12 =	simm.s32 $0x14080;
	s13 =	sld [smem:$0x7F7]  }
0xb7: {  	[tilespmem:s12], [sflag:$0x1] =	stream.indirect_vreg.gather [hbm4b:s11+s2], $0x80, v2, vm0, $0xb8;
	[tilespmem:$0x18080] =	vst v63  }
0xb8: {  	s14 =	simm.s32 $0x14880;
	s15 =	sld [smem:$0x7F8];
	s26 =	ssub.s32 $0x2, s20  }
0xb9: {  	[tilespmem:s14], [sflag:$0x1] =	stream.indirect_vreg.gather [hbm4b:s13+s2], $0x80, v2, vm0, $0xb8;
	[tilespmem:$0x18080] =	vst v63  }
0xba: {  	s16 =	simm.s32 $0x15080;
	s17 =	sld [smem:$0x7F9];
	s29 =	sshrl.u32 s26, $0x1  }
0xbb: {  	[tilespmem:s16], [sflag:$0x1] =	stream.indirect_vreg.gather [hbm4b:s15+s2], $0x80, v2, vm0, $0xb8;
	[tilespmem:$0x18080] =	vst v63  }
0xbc: {  	s18 =	simm.s32 $0x15880;
	s19 =	sld [smem:$0x7FA];
	s0 =	ssub.s32 s26, s29  }
0xbd: {  	[tilespmem:s18], [sflag:$0x1] =	stream.indirect_vreg.gather [hbm4b:s17+s2], $0x80, v2, vm0, $0xb8;
	[tilespmem:$0x18080] =	vst v63  }
0xbe: {  	s21 =	simm.s32 $0x16080;
	s22 =	sld [smem:$0x7FB];
	s0 =	smax.u32 s0, $0x1  }
0xbf: {  	[tilespmem:s21], [sflag:$0x1] =	stream.indirect_vreg.gather [hbm4b:s19+s2], $0x80, v2, vm0, $0xb8;
	[tilespmem:$0x18080] =	vst v63  }
0xc0: {  	s23 =	simm.s32 $0x16880;
	s24 =	sld [smem:$0x7FC];
	p0 =	sne.s32 s0, $0x1  }
0xc1: {  	[tilespmem:s23], [sflag:$0x1] =	stream.indirect_vreg.gather [hbm4b:s22+s2], $0x80, v2, vm0, $0xb8;
	[tilespmem:$0x18080] =	vst v63  }
.Ltmp0:
0xc2: {  	_ = 	snop;
	(pc) =	sbr.rel @!p0 .LBB2_2-.Ltmp0, $4  }
0xc3: {  	s25 =	simm.s32 $0x17080;
	s28 =	sld [smem:$0x7FD]  }
0xc4: {  	[tilespmem:s25], [sflag:$0x1] =	stream.indirect_vreg.gather [hbm4b:s24+s2], $0x80, v2, vm0, $0xb8;
	[tilespmem:$0x18080] =	vst v63  }
0xc5: {  	s31 =	simm.s32 $0x1;
	s30 =	simm.s32 $0x17880;
	s1 =	sadd.s32 $0xFFFFFFFF, s0  }
0xc6: {  	[tilespmem:s30], [sflag:$0x1] =	stream.indirect_vreg.gather [hbm4b:s28+s2], $0x80, v2, vm0, $0xb8;
	[tilespmem:$0x18080] =	vst v63  }
.LBB2_1:
0xc7: {  	_ =	swait.ge [sflag:s31], $0x18000  }
0xc8: {  	s0 =	sld [smem:$0x7D3]  }
0xc9: {  	[sflag:s31] =	ssyncset.done $0x0  }
0xca: {  	[sflag:s31] =	ssyncadd.s32 $0xFFFE8000  }
0xcb: {  	[hbm4b:s0+s2] =	stream.linear.scatter [tilespmem:s5], [sflag:$0x2], $0x18000, $0x38;
	[tilespmem:$0x18080] =	vst v63  }
0xcc: {  	_ =	swait.ge [sflag:s4], $0x18000  }
0xcd: {  	[sflag:s4] =	ssyncset.done $0x0  }
0xce: {  	s16 =	rddreg [dreg:$0x3];
	[sflag:s4] =	ssyncadd.s32 $0xFFFE8000  }
0xcf: {  	[tilespmem:s2], [sflag:$0x2] =	stream.linear.gather [hbm4b:s16+s2], $0x8, $0x38;
	[tilespmem:$0x18080] =	vst v63  }
0xd0: {  	_ =	swait.ge [sflag:s4], $0x8  }
0xd1: {  	s0 =	rddreg [dreg:$0x1b]  }
0xd2: {  	s3 =	sld [smem:$0x7D4]  }
0xd3: {  	s6 =	sld [smem:$0x7D5]  }
0xd4: {  	s7 =	sld [smem:$0x7D6]  }
0xd5: {  	s8 =	sld [smem:$0x7D7]  }
0xd6: {  	s9 =	sld [smem:$0x7D8]  }
0xd7: {  	s15 =	rddreg [dreg:$0x5]  }
0xd8: {  	[sflag:s4] =	ssyncset.done $0x0;
	s16 =	rddreg [dreg:$0x4]  }
0xd9: {  	s17 =	sld [smem:$0x7D9];
	[sflag:s4] =	ssyncadd.s32 $0xFFFFFFF8  }
0xda: {  	s18 =	sld [smem:$0x7DA];
	v2 =	vld.msk [tilespmem:$0x0], $0xff  }
0xdb: {  	s19 =	sld [smem:$0x7DB]  }
0xdc: {  	s21 =	sld [smem:$0x7DC]  }
0xdd: {  	s22 =	sld [smem:$0x7DD]  }
0xde: {  	s23 =	sld [smem:$0x7DE]  }
0xdf: {  	s24 =	sld [smem:$0x7DF];
	v3 =	vshrl.u32 v2, $0x3  }
0xe0: {  	s25 =	sld [smem:$0x7E0];
	v3 =	vmul.u32 $0x300, v3  }
0xe1: {  	s26 =	sld [smem:$0x7E1];
	v2 =	vand.u32 $0x7, v2  }
0xe2: {  	s28 =	sld [smem:$0x7E2];
	v2 =	vor.u32 v2, v3  }
0xe3: {  	s29 =	sld [smem:$0x7E3];
	v2 =	vperm.xlane v2, v0  }
0xe4: {  	s30 =	sld [smem:$0x7E4]  }
0xe5: {  	s20 =	sld [smem:$0x7E5];
	v2 =	vadd.s32 v1, v2  }
0xe6: {  	s14 =	sld [smem:$0x7E6]  }
0xe7: {  	s13 =	sld [smem:$0x7E7]  }
0xe8: {  	s12 =	sld [smem:$0x7E8]  }
0xe9: {  	s11 =	rddreg [dreg:$0x1]  }
0xea: {  	[tilespmem:s5], [sflag:$0x1] =	stream.indirect_vreg.gather [hbm4b:s11+s2], $0x80, v2, vm0, $0xb8;
	[tilespmem:$0x18080] =	vst v63  }
0xeb: {  	s10 =	sld [smem:$0x7E9]  }
0xec: {  	[tilespmem:s17], [sflag:$0x1] =	stream.indirect_vreg.gather [hbm4b:s16+s2], $0x80, v2, vm0, $0xb8;
	[tilespmem:$0x18080] =	vst v63  }
0xed: {  	s11 =	sld [smem:$0x7EA]  }
0xee: {  	[tilespmem:s18], [sflag:$0x1] =	stream.indirect_vreg.gather [hbm4b:s15+s2], $0x80, v2, vm0, $0xb8;
	[tilespmem:$0x18080] =	vst v63  }
0xef: {  	s17 =	rddreg [dreg:$0x6]  }
0xf0: {  	[tilespmem:s19], [sflag:$0x1] =	stream.indirect_vreg.gather [hbm4b:s17+s2], $0x80, v2, vm0, $0xb8;
	[tilespmem:$0x18080] =	vst v63  }
0xf1: {  	s18 =	rddreg [dreg:$0x7]  }
0xf2: {  	[tilespmem:s21], [sflag:$0x1] =	stream.indirect_vreg.gather [hbm4b:s18+s2], $0x80, v2, vm0, $0xb8;
	[tilespmem:$0x18080] =	vst v63  }
0xf3: {  	s19 =	rddreg [dreg:$0x8]  }
0xf4: {  	[tilespmem:s22], [sflag:$0x1] =	stream.indirect_vreg.gather [hbm4b:s19+s2], $0x80, v2, vm0, $0xb8;
	[tilespmem:$0x18080] =	vst v63  }
0xf5: {  	s21 =	rddreg [dreg:$0x9]  }
0xf6: {  	[tilespmem:s23], [sflag:$0x1] =	stream.indirect_vreg.gather [hbm4b:s21+s2], $0x80, v2, vm0, $0xb8;
	[tilespmem:$0x18080] =	vst v63  }
0xf7: {  	s22 =	rddreg [dreg:$0xa]  }
0xf8: {  	[tilespmem:s24], [sflag:$0x1] =	stream.indirect_vreg.gather [hbm4b:s22+s2], $0x80, v2, vm0, $0xb8;
	[tilespmem:$0x18080] =	vst v63  }
0xf9: {  	s23 =	rddreg [dreg:$0xb]  }
0xfa: {  	[tilespmem:s25], [sflag:$0x1] =	stream.indirect_vreg.gather [hbm4b:s23+s2], $0x80, v2, vm0, $0xb8;
	[tilespmem:$0x18080] =	vst v63  }
0xfb: {  	s24 =	rddreg [dreg:$0xc]  }
0xfc: {  	[tilespmem:s26], [sflag:$0x1] =	stream.indirect_vreg.gather [hbm4b:s24+s2], $0x80, v2, vm0, $0xb8;
	[tilespmem:$0x18080] =	vst v63  }
0xfd: {  	s25 =	rddreg [dreg:$0xd]  }
0xfe: {  	[tilespmem:s28], [sflag:$0x1] =	stream.indirect_vreg.gather [hbm4b:s25+s2], $0x80, v2, vm0, $0xb8;
	[tilespmem:$0x18080] =	vst v63  }
0xff: {  	s26 =	rddreg [dreg:$0xe]  }
0x100: {  	[tilespmem:s29], [sflag:$0x1] =	stream.indirect_vreg.gather [hbm4b:s26+s2], $0x80, v2, vm0, $0xb8;
	[tilespmem:$0x18080] =	vst v63  }
0x101: {  	s28 =	rddreg [dreg:$0xf]  }
0x102: {  	[tilespmem:s30], [sflag:$0x1] =	stream.indirect_vreg.gather [hbm4b:s28+s2], $0x80, v2, vm0, $0xb8;
	[tilespmem:$0x18080] =	vst v63  }
0x103: {  	s29 =	rddreg [dreg:$0x10]  }
0x104: {  	[tilespmem:s20], [sflag:$0x1] =	stream.indirect_vreg.gather [hbm4b:s29+s2], $0x80, v2, vm0, $0xb8;
	[tilespmem:$0x18080] =	vst v63  }
0x105: {  	s17 =	rddreg [dreg:$0x11]  }
0x106: {  	[tilespmem:s14], [sflag:$0x1] =	stream.indirect_vreg.gather [hbm4b:s17+s2], $0x80, v2, vm0, $0xb8;
	[tilespmem:$0x18080] =	vst v63  }
0x107: {  	s18 =	rddreg [dreg:$0x12]  }
0x108: {  	[tilespmem:s13], [sflag:$0x1] =	stream.indirect_vreg.gather [hbm4b:s18+s2], $0x80, v2, vm0, $0xb8;
	[tilespmem:$0x18080] =	vst v63  }
0x109: {  	s19 =	rddreg [dreg:$0x13]  }
0x10a: {  	[tilespmem:s12], [sflag:$0x1] =	stream.indirect_vreg.gather [hbm4b:s19+s2], $0x80, v2, vm0, $0xb8;
	[tilespmem:$0x18080] =	vst v63  }
0x10b: {  	s20 =	rddreg [dreg:$0x14]  }
0x10c: {  	[tilespmem:s10], [sflag:$0x1] =	stream.indirect_vreg.gather [hbm4b:s20+s2], $0x80, v2, vm0, $0xb8;
	[tilespmem:$0x18080] =	vst v63  }
0x10d: {  	s21 =	rddreg [dreg:$0x15]  }
0x10e: {  	[tilespmem:s11], [sflag:$0x1] =	stream.indirect_vreg.gather [hbm4b:s21+s2], $0x80, v2, vm0, $0xb8;
	[tilespmem:$0x18080] =	vst v63  }
0x10f: {  	s22 =	rddreg [dreg:$0x16]  }
0x110: {  	[tilespmem:s9], [sflag:$0x1] =	stream.indirect_vreg.gather [hbm4b:s22+s2], $0x80, v2, vm0, $0xb8;
	[tilespmem:$0x18080] =	vst v63  }
0x111: {  	s23 =	rddreg [dreg:$0x17]  }
0x112: {  	[tilespmem:s8], [sflag:$0x1] =	stream.indirect_vreg.gather [hbm4b:s23+s2], $0x80, v2, vm0, $0xb8;
	[tilespmem:$0x18080] =	vst v63  }
0x113: {  	s24 =	rddreg [dreg:$0x18]  }
0x114: {  	[tilespmem:s7], [sflag:$0x1] =	stream.indirect_vreg.gather [hbm4b:s24+s2], $0x80, v2, vm0, $0xb8;
	[tilespmem:$0x18080] =	vst v63  }
0x115: {  	s25 =	rddreg [dreg:$0x19]  }
0x116: {  	[tilespmem:s6], [sflag:$0x1] =	stream.indirect_vreg.gather [hbm4b:s25+s2], $0x80, v2, vm0, $0xb8;
	[tilespmem:$0x18080] =	vst v63  }
0x117: {  	s26 =	rddreg [dreg:$0x1a]  }
0x118: {  	[tilespmem:s3], [sflag:$0x1] =	stream.indirect_vreg.gather [hbm4b:s26+s2], $0x80, v2, vm0, $0xb8;
	[tilespmem:$0x18080] =	vst v63  }
0x119: {  	s28 =	rddreg [dreg:$0x1c];
	s30 =	simm.s32 $0xC080  }
0x11a: {  	[tilespmem:s30], [sflag:$0x1] =	stream.indirect_vreg.gather [hbm4b:s0+s2], $0x80, v2, vm0, $0xb8;
	[tilespmem:$0x18080] =	vst v63  }
0x11b: {  	s29 =	rddreg [dreg:$0x1d];
	s9 =	simm.s32 $0xC880  }
0x11c: {  	[tilespmem:s9], [sflag:$0x1] =	stream.indirect_vreg.gather [hbm4b:s28+s2], $0x80, v2, vm0, $0xb8;
	[tilespmem:$0x18080] =	vst v63  }
0x11d: {  	s12 =	sld [smem:$0x7EB];
	s11 =	simm.s32 $0xD080  }
0x11e: {  	[tilespmem:s11], [sflag:$0x1] =	stream.indirect_vreg.gather [hbm4b:s29+s2], $0x80, v2, vm0, $0xb8;
	[tilespmem:$0x18080] =	vst v63  }
0x11f: {  	s13 =	simm.s32 $0xD880;
	s8 =	rddreg [dreg:$0x1e]  }
0x120: {  	[tilespmem:s13], [sflag:$0x1] =	stream.indirect_vreg.gather [hbm4b:s8+s2], $0x80, v2, vm0, $0xb8;
	[tilespmem:$0x18080] =	vst v63  }
0x121: {  	s15 =	simm.s32 $0xE080;
	s10 =	rddreg [dreg:$0x1f]  }
0x122: {  	[tilespmem:s15], [sflag:$0x1] =	stream.indirect_vreg.gather [hbm4b:s10+s2], $0x80, v2, vm0, $0xb8;
	[tilespmem:$0x18080] =	vst v63  }
0x123: {  	s14 =	sld [smem:$0x7EC];
	s17 =	simm.s32 $0xE880  }
0x124: {  	[tilespmem:s17], [sflag:$0x1] =	stream.indirect_vreg.gather [hbm4b:s12+s2], $0x80, v2, vm0, $0xb8;
	[tilespmem:$0x18080] =	vst v63  }
0x125: {  	s16 =	sld [smem:$0x7ED];
	s19 =	simm.s32 $0xF080  }
0x126: {  	[tilespmem:s19], [sflag:$0x1] =	stream.indirect_vreg.gather [hbm4b:s14+s2], $0x80, v2, vm0, $0xb8;
	[tilespmem:$0x18080] =	vst v63  }
0x127: {  	s18 =	sld [smem:$0x7EE];
	s21 =	simm.s32 $0xF880  }
0x128: {  	[tilespmem:s21], [sflag:$0x1] =	stream.indirect_vreg.gather [hbm4b:s16+s2], $0x80, v2, vm0, $0xb8;
	[tilespmem:$0x18080] =	vst v63  }
0x129: {  	s20 =	sld [smem:$0x7EF];
	s23 =	simm.s32 $0x10080  }
0x12a: {  	[tilespmem:s23], [sflag:$0x1] =	stream.indirect_vreg.gather [hbm4b:s18+s2], $0x80, v2, vm0, $0xb8;
	[tilespmem:$0x18080] =	vst v63  }
0x12b: {  	s22 =	sld [smem:$0x7F0];
	s25 =	simm.s32 $0x10880  }
0x12c: {  	[tilespmem:s25], [sflag:$0x1] =	stream.indirect_vreg.gather [hbm4b:s20+s2], $0x80, v2, vm0, $0xb8;
	[tilespmem:$0x18080] =	vst v63  }
0x12d: {  	s24 =	sld [smem:$0x7F1];
	s28 =	simm.s32 $0x11080  }
0x12e: {  	[tilespmem:s28], [sflag:$0x1] =	stream.indirect_vreg.gather [hbm4b:s22+s2], $0x80, v2, vm0, $0xb8;
	[tilespmem:$0x18080] =	vst v63  }
0x12f: {  	s26 =	sld [smem:$0x7F2];
	s30 =	simm.s32 $0x11880  }
0x130: {  	[tilespmem:s30], [sflag:$0x1] =	stream.indirect_vreg.gather [hbm4b:s24+s2], $0x80, v2, vm0, $0xb8;
	[tilespmem:$0x18080] =	vst v63  }
0x131: {  	s9 =	simm.s32 $0x12080;
	s29 =	sld [smem:$0x7F3]  }
0x132: {  	[tilespmem:s9], [sflag:$0x1] =	stream.indirect_vreg.gather [hbm4b:s26+s2], $0x80, v2, vm0, $0xb8;
	[tilespmem:$0x18080] =	vst v63  }
0x133: {  	s11 =	simm.s32 $0x12880;
	s8 =	sld [smem:$0x7F4]  }
0x134: {  	[tilespmem:s11], [sflag:$0x1] =	stream.indirect_vreg.gather [hbm4b:s29+s2], $0x80, v2, vm0, $0xb8;
	[tilespmem:$0x18080] =	vst v63  }
0x135: {  	s13 =	simm.s32 $0x13080;
	s10 =	sld [smem:$0x7F5]  }
0x136: {  	[tilespmem:s13], [sflag:$0x1] =	stream.indirect_vreg.gather [hbm4b:s8+s2], $0x80, v2, vm0, $0xb8;
	[tilespmem:$0x18080] =	vst v63  }
0x137: {  	s15 =	simm.s32 $0x13880;
	s12 =	sld [smem:$0x7F6]  }
0x138: {  	[tilespmem:s15], [sflag:$0x1] =	stream.indirect_vreg.gather [hbm4b:s10+s2], $0x80, v2, vm0, $0xb8;
	[tilespmem:$0x18080] =	vst v63  }
0x139: {  	s17 =	simm.s32 $0x14080;
	s14 =	sld [smem:$0x7F7]  }
0x13a: {  	[tilespmem:s17], [sflag:$0x1] =	stream.indirect_vreg.gather [hbm4b:s12+s2], $0x80, v2, vm0, $0xb8;
	[tilespmem:$0x18080] =	vst v63  }
0x13b: {  	s19 =	simm.s32 $0x14880;
	s16 =	sld [smem:$0x7F8]  }
0x13c: {  	[tilespmem:s19], [sflag:$0x1] =	stream.indirect_vreg.gather [hbm4b:s14+s2], $0x80, v2, vm0, $0xb8;
	[tilespmem:$0x18080] =	vst v63  }
0x13d: {  	s21 =	simm.s32 $0x15080;
	s18 =	sld [smem:$0x7F9]  }
0x13e: {  	[tilespmem:s21], [sflag:$0x1] =	stream.indirect_vreg.gather [hbm4b:s16+s2], $0x80, v2, vm0, $0xb8;
	[tilespmem:$0x18080] =	vst v63  }
0x13f: {  	s23 =	simm.s32 $0x15880;
	s20 =	sld [smem:$0x7FA]  }
0x140: {  	[tilespmem:s23], [sflag:$0x1] =	stream.indirect_vreg.gather [hbm4b:s18+s2], $0x80, v2, vm0, $0xb8;
	[tilespmem:$0x18080] =	vst v63  }
0x141: {  	s25 =	simm.s32 $0x16080;
	s22 =	sld [smem:$0x7FB]  }
0x142: {  	[tilespmem:s25], [sflag:$0x1] =	stream.indirect_vreg.gather [hbm4b:s20+s2], $0x80, v2, vm0, $0xb8;
	[tilespmem:$0x18080] =	vst v63  }
0x143: {  	p0 =	sne.s32 s1, $0x1;
	s28 =	simm.s32 $0x16880;
	s24 =	sld [smem:$0x7FC]  }
0x144: {  	[tilespmem:s28], [sflag:$0x1] =	stream.indirect_vreg.gather [hbm4b:s22+s2], $0x80, v2, vm0, $0xb8;
	[tilespmem:$0x18080] =	vst v63  }
.Ltmp1:
0x145: {  	_ = 	snop;
	(pc) =	sbr.rel @p0 .LBB2_1-.Ltmp1, $4  }
0x146: {  	s26 =	sld [smem:$0x7FD];
	s29 =	simm.s32 $0x17080  }
0x147: {  	[tilespmem:s29], [sflag:$0x1] =	stream.indirect_vreg.gather [hbm4b:s24+s2], $0x80, v2, vm0, $0xb8;
	[tilespmem:$0x18080] =	vst v63  }
0x148: {  	s1 =	sadd.s32 $0xFFFFFFFF, s1;
	s30 =	simm.s32 $0x17880  }
0x149: {  	[tilespmem:s30], [sflag:$0x1] =	stream.indirect_vreg.gather [hbm4b:s26+s2], $0x80, v2, vm0, $0xb8;
	[tilespmem:$0x18080] =	vst v63  }
.LBB2_2:
0x14a: {  	_ =	swait.ge [sflag:s31], $0x18000  }
0x14b: {  	s0 =	sld [smem:$0x7D3]  }
0x14c: {  	[sflag:s31] =	ssyncset.done $0x0  }
0x14d: {  	[sflag:s31] =	ssyncadd.s32 $0xFFFE8000  }
0x14e: {  	[hbm4b:s0+s2] =	stream.linear.scatter [tilespmem:s5], [sflag:$0x2], $0x18000, $0x38;
	[tilespmem:$0x18080] =	vst v63  }
0x14f: {  	_ =	swait.ge [sflag:s4], $0x18000  }
0x150: {  	[sflag:s4] =	ssyncset.done $0x0  }
0x151: {  	[sflag:s4] =	ssyncadd.s32 $0xFFFE8000  }
0x152: {  	_ =	sfence.sel $0x180000  }
0x153: {  	[bflag:$0x0] =	sbarrier.arrive $0xFFFF  }
0x154: {  	_ =	strace $0x90000047  }
0x155: {  	s31 =	stileid.u32;
	[bflag:$0x2] =	sbarrier.arrive $0xFFFF  }
0x156: {  	p0 =	sne.s32 s31, $0x0;
	s0 =	rddreg [dreg:$0x2]  }
0x157: {  	s0 =	sadd.s32 @!p0 $0x100000, s0  }
0x158: {  	[sflag:s0] =	ssyncadd.tile.s32 @!p0 $0x1;
	_ =	shalt  }
.Lfunc_end2:
_tile_overlayer_lowered:
.L_overlay_start_2:
0x159: {  	(tag) =	ssettag $0x2  }
0x15a: {  	s0 =	rddreg [dreg:$0x0];
	s2 =	stileid.u32  }
0x15b: {  	s1 =	rddreg [dreg:$0x1];
	p0 =	sne.s32 s2, $0x0  }
0x15c: {  	s3 =	rddreg [dreg:$0x2];
	[bflag:$0x3] =	sbarrier.arrive $0xFFFF;
	s2 =	simm.s32 @!p0 $0x1C02  }
0x15d: {  	[timem:s3], [sflag:s2] =	dma.local @!p0 [hbm:s0], s1  }
0x15e: {  	s0 =	simm.s32 @!p0 $0x2  }
0x15f: {  	_ =	swait.ge @!p0 [sflag:s0], s1  }
0x160: {  	s1 =	ssub.s32 @!p0 $0x0, s1;
	[sflag:s0] =	ssyncset.done @!p0 $0x0  }
0x161: {  	[sflag:s0] =	ssyncadd.s32 @!p0 s1  }
0x162: {  	[bflag:$0x3] =	sbarrier.arrive $0xFFFF  }
0x163: {  	_ =	shalt  }

</sc_bundles>
